<compile_context>
chip_gen: v7x
topology: tpu7x:2x2x1
jax: 0.10.2.dev20260603
libtpu: 0.0.44.dev20260713+nightly
codegen_flags: <defaults>
</compile_context>

<pallas_src>
import functools

import jax
import jax.numpy as jnp
from jax import lax
from jax.experimental import pallas as pl
from jax.experimental.pallas import tpu as pltpu
from jax.experimental.pallas import tpu_sc as plsc

NC = 2
NS = 16
LANES = 16
NW = NC * NS


def _proj_body(x_ref, w_ref, o_ref):
    o_ref[...] = jnp.dot(x_ref[...], w_ref[...],
                         preferred_element_type=jnp.float32)


def _make_gather_diff(N, E, D, CH):
    e_pt = E // NW
    nch = e_pt // CH
    assert e_pt % CH == 0 and nch >= 3
    mesh = plsc.VectorSubcoreMesh(core_axis_name="c", subcore_axis_name="s",
                                  num_cores=NC, num_subcores=NS)

    @functools.partial(
        pl.kernel,
        out_type=jax.ShapeDtypeStruct((E, D), jnp.float32),
        mesh=mesh,
        scratch_types=[
            pltpu.VMEM((e_pt,), jnp.int32),
            pltpu.VMEM((e_pt,), jnp.int32),
            pltpu.VMEM((CH, D), jnp.float32),
            pltpu.VMEM((CH, D), jnp.float32),
            pltpu.VMEM((CH, D), jnp.float32),
            pltpu.VMEM((CH, D), jnp.float32),
            pltpu.VMEM((CH, D), jnp.float32),
            pltpu.VMEM((CH, D), jnp.float32),
            pltpu.SemaphoreType.DMA,
            pltpu.SemaphoreType.DMA,
            pltpu.SemaphoreType.DMA,
            pltpu.SemaphoreType.DMA,
            pltpu.SemaphoreType.DMA,
            pltpu.SemaphoreType.DMA,
        ],
    )
    def gather_diff(u_hbm, row_hbm, col_hbm, out_hbm, idx_r, idx_c,
                    br0, bc0, ob0, br1, bc1, ob1,
                    sgr0, sgc0, sgr1, sgc1, so0, so1):
        wid = lax.axis_index("s") * NC + lax.axis_index("c")
        base0 = wid * e_pt
        pltpu.sync_copy(row_hbm.at[pl.ds(base0, e_pt)], idx_r)
        pltpu.sync_copy(col_hbm.at[pl.ds(base0, e_pt)], idx_c)
        br = (br0, br1)
        bc = (bc0, bc1)
        ob = (ob0, ob1)
        sgr = (sgr0, sgr1)
        sgc = (sgc0, sgc1)
        so = (so0, so1)

        def issue_gather(chunk, b):
            off = pl.multiple_of(chunk * CH, 8)
            pltpu.async_copy(u_hbm.at[idx_r.at[pl.ds(off, CH)]], br[b], sgr[b])
            pltpu.async_copy(u_hbm.at[idx_c.at[pl.ds(off, CH)]], bc[b], sgc[b])

        def wait_gather(b):
            pltpu.make_async_copy(u_hbm.at[pl.ds(0, CH)], br[b], sgr[b]).wait()
            pltpu.make_async_copy(u_hbm.at[pl.ds(0, CH)], bc[b], sgc[b]).wait()

        def issue_out(chunk, b):
            pltpu.async_copy(ob[b], out_hbm.at[pl.ds(base0 + chunk * CH, CH)],
                             so[b])

        def wait_out(b):
            pltpu.make_async_copy(u_hbm.at[pl.ds(0, CH)], ob[b], so[b]).wait()

        def sub(b):
            def _row(j, _):
                for k in range(D // LANES):
                    sl = pl.ds(k * LANES, LANES)
                    ob[b][j, sl] = br[b][j, sl] - bc[b][j, sl]
                return ()

            lax.fori_loop(0, CH, _row, (), unroll=2)

        issue_gather(0, 0)

        def body(i, _):
            g = i * 2

            @pl.when(g + 1 < nch)
            def _():
                issue_gather(g + 1, 1)

            @pl.when(g >= 2)
            def _():
                wait_out(0)

            wait_gather(0)
            sub(0)
            issue_out(g, 0)

            @pl.when(g + 2 < nch)
            def _():
                issue_gather(g + 2, 0)

            @pl.when(g + 1 < nch)
            def _():
                @pl.when(g >= 2)
                def _():
                    wait_out(1)

                wait_gather(1)
                sub(1)
                issue_out(g + 1, 1)

            return ()

        lax.fori_loop(0, (nch + 1) // 2, body, ())
        wait_out(0)
        wait_out(1)

    return gather_diff


def _edge_mlp_body(pre_ref, attr_ref, wea_ref, be_ref, g_ref, bb_ref, o_ref):
    t = pre_ref[...] + jnp.dot(attr_ref[...], wea_ref[...],
                               preferred_element_type=jnp.float32)
    t = jnp.maximum(t + be_ref[...], 0.0)
    m = jnp.mean(t, axis=-1, keepdims=True)
    c = t - m
    v = jnp.mean(c * c, axis=-1, keepdims=True)
    o_ref[...] = c * lax.rsqrt(v + 1e-5) * g_ref[...] + bb_ref[...]


def _make_scatter_sum(N, E, D, CH):
    e_pt = E // NW
    nch = e_pt // CH
    n_pad = ((N + 8 * NS - 1) // (8 * NS)) * (8 * NS)
    n_pt = n_pad // NS
    mesh = plsc.VectorSubcoreMesh(core_axis_name="c", subcore_axis_name="s",
                                  num_cores=NC, num_subcores=NS)

    @functools.partial(
        pl.kernel,
        out_type=[jax.ShapeDtypeStruct((n_pad, D), jnp.float32),
                  jax.ShapeDtypeStruct((n_pad, D), jnp.float32)],
        mesh=mesh,
        scratch_types=[
            pltpu.VMEM((CH,), jnp.int32),
            pltpu.VMEM((CH, D), jnp.float32),
            pltpu.VMEM_SHARED((n_pad, D), jnp.float32),
        ],
    )
    def scatter_sum(feat_hbm, row_hbm, out0_hbm, out1_hbm, idx, buf, acc):
        cid = lax.axis_index("c")
        sid = lax.axis_index("s")
        wid = sid * NC + cid
        base0 = wid * e_pt

        def zero_row(j, _):
            for k in range(D // LANES):
                buf[j, pl.ds(k * LANES, LANES)] = jnp.zeros(
                    (LANES,), jnp.float32)
            return ()

        lax.fori_loop(0, CH, zero_row, ())
        done = 0
        while done < n_pt:
            step = min(CH, n_pt - done)
            pltpu.sync_copy(buf.at[pl.ds(0, step)],
                            acc.at[pl.ds(sid * n_pt + done, step)])
            done += step
        plsc.subcore_barrier()

        def chunk(i, _):
            base = base0 + i * CH
            pltpu.sync_copy(row_hbm.at[pl.ds(base, CH)], idx)
            pltpu.sync_copy(feat_hbm.at[pl.ds(base, CH)], buf)
            pltpu.sync_copy(buf, acc.at[idx], add=True)
            return ()

        lax.fori_loop(0, nch, chunk, ())
        plsc.subcore_barrier()

        @pl.when(cid == 0)
        def _():
            pltpu.sync_copy(acc.at[pl.ds(sid * n_pt, n_pt)],
                            out0_hbm.at[pl.ds(sid * n_pt, n_pt)])

        @pl.when(cid == 1)
        def _():
            pltpu.sync_copy(acc.at[pl.ds(sid * n_pt, n_pt)],
                            out1_hbm.at[pl.ds(sid * n_pt, n_pt)])

    return scatter_sum


def _node_mlp_body(x_ref, p0_ref, p1_ref, wn1_ref, wn2_ref,
                   bn_ref, g_ref, bb_ref, o_ref):
    agg = p0_ref[...] + p1_ref[...]
    h = (jnp.dot(x_ref[...], wn1_ref[...], preferred_element_type=jnp.float32)
         + jnp.dot(agg, wn2_ref[...], preferred_element_type=jnp.float32)
         + bn_ref[...])
    h = jnp.maximum(h, 0.0)
    m = jnp.mean(h, axis=-1, keepdims=True)
    c = h - m
    v = jnp.mean(c * c, axis=-1, keepdims=True)
    o_ref[...] = (c * lax.rsqrt(v + 1e-5) * g_ref[...] + bb_ref[...]
                  + x_ref[...])


def kernel(x, edge_index, edge_attr, W_e, b_e, g_e, be_e,
           W_n, b_n, g_n, be_n):
    N, D = x.shape
    E = edge_index.shape[1]
    DE = edge_attr.shape[1]
    H = W_e.shape[1]
    assert E % NW == 0 and N % NS == 0 and D % LANES == 0

    row = edge_index[0]
    col = edge_index[1]
    W_ex = W_e[:D]
    W_ea = W_e[D:]
    W_n1 = W_n[:D]
    W_n2 = W_n[D:]

    u = pl.pallas_call(
        _proj_body,
        out_shape=jax.ShapeDtypeStruct((N, H), jnp.float32),
    )(x, W_ex)

    pre = _make_gather_diff(N, E, H, 80)(u, row, col)

    BE = 3200
    grid = (E // BE,)
    edge_feat = pl.pallas_call(
        _edge_mlp_body,
        grid=grid,
        in_specs=[
            pl.BlockSpec((BE, H), lambda i: (i, 0)),
            pl.BlockSpec((BE, DE), lambda i: (i, 0)),
            pl.BlockSpec((DE, H), lambda i: (0, 0)),
            pl.BlockSpec((1, H), lambda i: (0, 0)),
            pl.BlockSpec((1, H), lambda i: (0, 0)),
            pl.BlockSpec((1, H), lambda i: (0, 0)),
        ],
        out_specs=pl.BlockSpec((BE, H), lambda i: (i, 0)),
        out_shape=jax.ShapeDtypeStruct((E, H), jnp.float32),
    )(pre, edge_attr, W_ea,
      b_e.reshape(1, H), g_e.reshape(1, H), be_e.reshape(1, H))

    part0, part1 = _make_scatter_sum(N, E, H, 200)(edge_feat, row)

    BN = N // 5
    x_out = pl.pallas_call(
        _node_mlp_body,
        grid=(5,),
        in_specs=[
            pl.BlockSpec((BN, D), lambda i: (i, 0)),
            pl.BlockSpec((BN, H), lambda i: (i, 0)),
            pl.BlockSpec((BN, H), lambda i: (i, 0)),
            pl.BlockSpec((D, H), lambda i: (0, 0)),
            pl.BlockSpec((H, H), lambda i: (0, 0)),
            pl.BlockSpec((1, H), lambda i: (0, 0)),
            pl.BlockSpec((1, H), lambda i: (0, 0)),
            pl.BlockSpec((1, H), lambda i: (0, 0)),
        ],
        out_specs=pl.BlockSpec((BN, H), lambda i: (i, 0)),
        out_shape=jax.ShapeDtypeStruct((N, H), jnp.float32),
    )(x, part0, part1, W_n1, W_n2,
      b_n.reshape(1, H), g_n.reshape(1, H), be_n.reshape(1, H))

    return (x_out, edge_feat)

# --- scband reference (transcript-rebuilt; emitter-appended) ---
"""Pipeline reference for scband-gcl-9852654977761 (READ-ONLY COPY).

The authoritative reference and input builder live on the scoring server;
editing this copy changes nothing except your own understanding.
"""

import jax, jax.numpy as jnp
import numpy as np

N = 10000
E = 320000
D = 128
DE = 16
H = 128


def layer_norm(x, g, b, eps=1e-5):
    m = jnp.mean(x, axis=-1, keepdims=True)
    v = jnp.var(x, axis=-1, keepdims=True)
    return (x - m) / jnp.sqrt(v + eps) * g + b


def setup_inputs(seed: int = 0) -> dict:
    key = jax.random.key(seed)
    ks = jax.random.split(key, 12)
    x = jax.random.normal(ks[0], (N, D), dtype=jnp.float32)
    edge_index = jax.random.randint(ks[1], (2, E), 0, N, dtype=jnp.int32)
    edge_attr = jax.random.normal(ks[2], (E, DE), dtype=jnp.float32)
    # edge_mlp: Linear(D + DE -> H), LayerNorm(H)
    W_e = jax.random.normal(ks[3], (D + DE, H), dtype=jnp.float32) * (1.0 / np.sqrt(D + DE))
    b_e = jnp.zeros((H,), dtype=jnp.float32)
    g_e = jnp.ones((H,), dtype=jnp.float32)
    be_e = jnp.zeros((H,), dtype=jnp.float32)
    # node_mlp: Linear(H + D -> H), LayerNorm(H)
    W_n = jax.random.normal(ks[4], (H + D, H), dtype=jnp.float32) * (1.0 / np.sqrt(H + D))
    b_n = jnp.zeros((H,), dtype=jnp.float32)
    g_n = jnp.ones((H,), dtype=jnp.float32)
    be_n = jnp.zeros((H,), dtype=jnp.float32)
    return {"x": x, "edge_index": edge_index, "edge_attr": edge_attr,
            "W_e": W_e, "b_e": b_e, "g_e": g_e, "be_e": be_e,
            "W_n": W_n, "b_n": b_n, "g_n": g_n, "be_n": be_n}


def reference(x, edge_index, edge_attr, W_e, b_e, g_e, be_e, W_n, b_n, g_n, be_n):
    row = edge_index[0]
    col = edge_index[1]
    # edge_model (dropout is identity in eval mode)
    source = jnp.take(x, row, axis=0)
    target = jnp.take(x, col, axis=0)
    edge_in = jnp.concatenate([source - target, edge_attr], axis=-1)
    h_e = jax.nn.relu(edge_in @ W_e + b_e)
    edge_feat = layer_norm(h_e, g_e, be_e)
    # node_model: unsorted_segment_sum over row (scatter-add)
    agg = jax.ops.segment_sum(edge_feat, row, num_segments=N)
    node_in = jnp.concatenate([x, agg], axis=-1)
    h_n = jax.nn.relu(node_in @ W_n + b_n)
    x_out = layer_norm(h_n, g_n, be_n) + x
    return (x_out, edge_feat)

if __name__ == "__main__":
    import jax
    _d = setup_inputs()
    print(jax.jit(kernel)(*tuple(_d.values())))

</pallas_src>

<mosaic_0001>
#map = affine_map<(d0, d1) -> (0, 0)>
#map1 = affine_map<(d0, d1) -> (0)>
module attributes {stable_mosaic.version = 14 : i64} {
  func.func @scatter_sum(%arg0: i32, %arg1: i32, %arg2: memref<320000x128xf32, #tpu.memory_space<hbm>>, %arg3: memref<320000xi32, #tpu.memory_space<hbm>>, %arg4: memref<10112x128xf32, #tpu.memory_space<hbm>>, %arg5: memref<10112x128xf32, #tpu.memory_space<hbm>>, %arg6: memref<200xi32, #tpu.memory_space<vmem>>, %arg7: memref<200x128xf32, #tpu.memory_space<vmem>>, %arg8: memref<10112x128xf32, #tpu.memory_space<vmem_shared>>) attributes {dimension_semantics = [#tpu.dimension_semantics<core_parallel>, #tpu.dimension_semantics<subcore_parallel>], iteration_bounds = array<i64: 2, 16>, scalar_prefetch = 0 : i64, scratch_operands = 3 : i64, tpu.core_type = #tpu.core_type<sc_vector_subcore>, window_params = [{transform_indices = #map}, {transform_indices = #map1}, {transform_indices = #map}, {transform_indices = #map}]} {
    %mul3A = arith.constant 2 : i32
    %mul3A_0 = arith.muli %arg1, %mul3A : i32
    %add3A = arith.addi %mul3A_0, %arg0 : i32
    %mul3A_1 = arith.constant 10000 : i32
    %mul3A_2 = arith.muli %add3A, %mul3A_1 : i32
    %scan3A = arith.constant 0 : i32
    %scan3A_3 = arith.constant 200 : i32
    %scan3A_4 = arith.addi %scan3A, %scan3A_3 : i32
    %scan3A_5 = arith.constant 1 : i32
    scf.for %scan3A_36 = %scan3A to %scan3A_4 step %scan3A_5  : i32 {
      %broadcast_in_dim3A = arith.constant 0.000000e+00 : f32
      %broadcast_in_dim3A_37 = vector.broadcast %broadcast_in_dim3A : f32 to vector<16xf32>
      %swap3A = arith.index_cast %scan3A_36 : i32 to index
      %swap3A_38 = arith.constant 0 : index
      %swap3A_39 = tpu.vector_load %arg7[%swap3A, %swap3A_38] {strides = array<i32>} : memref<200x128xf32, #tpu.memory_space<vmem>>, vector<1x16xf32>,
      %swap3A_40 = vector.shape_cast %swap3A_39 : vector<1x16xf32> to vector<16xf32>
      %swap3A_41 = vector.shape_cast %broadcast_in_dim3A_37 : vector<16xf32> to vector<1x16xf32>
      tpu.vector_store %arg7[%swap3A, %swap3A_38], %swap3A_41 {strides = array<i32>} : memref<200x128xf32, #tpu.memory_space<vmem>>, vector<1x16xf32>,
      %broadcast_in_dim3A_42 = arith.constant 0.000000e+00 : f32
      %broadcast_in_dim3A_43 = vector.broadcast %broadcast_in_dim3A_42 : f32 to vector<16xf32>
      %swap3A_44 = arith.index_cast %scan3A_36 : i32 to index
      %swap3A_45 = arith.constant 16 : index
      %swap3A_46 = tpu.vector_load %arg7[%swap3A_44, %swap3A_45] {strides = array<i32>} : memref<200x128xf32, #tpu.memory_space<vmem>>, vector<1x16xf32>,
      %swap3A_47 = vector.shape_cast %swap3A_46 : vector<1x16xf32> to vector<16xf32>
      %swap3A_48 = vector.shape_cast %broadcast_in_dim3A_43 : vector<16xf32> to vector<1x16xf32>
      tpu.vector_store %arg7[%swap3A_44, %swap3A_45], %swap3A_48 {strides = array<i32>} : memref<200x128xf32, #tpu.memory_space<vmem>>, vector<1x16xf32>,
      %broadcast_in_dim3A_49 = arith.constant 0.000000e+00 : f32
      %broadcast_in_dim3A_50 = vector.broadcast %broadcast_in_dim3A_49 : f32 to vector<16xf32>
      %swap3A_51 = arith.index_cast %scan3A_36 : i32 to index
      %swap3A_52 = arith.constant 32 : index
      %swap3A_53 = tpu.vector_load %arg7[%swap3A_51, %swap3A_52] {strides = array<i32>} : memref<200x128xf32, #tpu.memory_space<vmem>>, vector<1x16xf32>,
      %swap3A_54 = vector.shape_cast %swap3A_53 : vector<1x16xf32> to vector<16xf32>
      %swap3A_55 = vector.shape_cast %broadcast_in_dim3A_50 : vector<16xf32> to vector<1x16xf32>
      tpu.vector_store %arg7[%swap3A_51, %swap3A_52], %swap3A_55 {strides = array<i32>} : memref<200x128xf32, #tpu.memory_space<vmem>>, vector<1x16xf32>,
      %broadcast_in_dim3A_56 = arith.constant 0.000000e+00 : f32
      %broadcast_in_dim3A_57 = vector.broadcast %broadcast_in_dim3A_56 : f32 to vector<16xf32>
      %swap3A_58 = arith.index_cast %scan3A_36 : i32 to index
      %swap3A_59 = arith.constant 48 : index
      %swap3A_60 = tpu.vector_load %arg7[%swap3A_58, %swap3A_59] {strides = array<i32>} : memref<200x128xf32, #tpu.memory_space<vmem>>, vector<1x16xf32>,
      %swap3A_61 = vector.shape_cast %swap3A_60 : vector<1x16xf32> to vector<16xf32>
      %swap3A_62 = vector.shape_cast %broadcast_in_dim3A_57 : vector<16xf32> to vector<1x16xf32>
      tpu.vector_store %arg7[%swap3A_58, %swap3A_59], %swap3A_62 {strides = array<i32>} : memref<200x128xf32, #tpu.memory_space<vmem>>, vector<1x16xf32>,
      %broadcast_in_dim3A_63 = arith.constant 0.000000e+00 : f32
      %broadcast_in_dim3A_64 = vector.broadcast %broadcast_in_dim3A_63 : f32 to vector<16xf32>
      %swap3A_65 = arith.index_cast %scan3A_36 : i32 to index
      %swap3A_66 = arith.constant 64 : index
      %swap3A_67 = tpu.vector_load %arg7[%swap3A_65, %swap3A_66] {strides = array<i32>} : memref<200x128xf32, #tpu.memory_space<vmem>>, vector<1x16xf32>,
      %swap3A_68 = vector.shape_cast %swap3A_67 : vector<1x16xf32> to vector<16xf32>
      %swap3A_69 = vector.shape_cast %broadcast_in_dim3A_64 : vector<16xf32> to vector<1x16xf32>
      tpu.vector_store %arg7[%swap3A_65, %swap3A_66], %swap3A_69 {strides = array<i32>} : memref<200x128xf32, #tpu.memory_space<vmem>>, vector<1x16xf32>,
      %broadcast_in_dim3A_70 = arith.constant 0.000000e+00 : f32
      %broadcast_in_dim3A_71 = vector.broadcast %broadcast_in_dim3A_70 : f32 to vector<16xf32>
      %swap3A_72 = arith.index_cast %scan3A_36 : i32 to index
      %swap3A_73 = arith.constant 80 : index
      %swap3A_74 = tpu.vector_load %arg7[%swap3A_72, %swap3A_73] {strides = array<i32>} : memref<200x128xf32, #tpu.memory_space<vmem>>, vector<1x16xf32>,
      %swap3A_75 = vector.shape_cast %swap3A_74 : vector<1x16xf32> to vector<16xf32>
      %swap3A_76 = vector.shape_cast %broadcast_in_dim3A_71 : vector<16xf32> to vector<1x16xf32>
      tpu.vector_store %arg7[%swap3A_72, %swap3A_73], %swap3A_76 {strides = array<i32>} : memref<200x128xf32, #tpu.memory_space<vmem>>, vector<1x16xf32>,
      %broadcast_in_dim3A_77 = arith.constant 0.000000e+00 : f32
      %broadcast_in_dim3A_78 = vector.broadcast %broadcast_in_dim3A_77 : f32 to vector<16xf32>
      %swap3A_79 = arith.index_cast %scan3A_36 : i32 to index
      %swap3A_80 = arith.constant 96 : index
      %swap3A_81 = tpu.vector_load %arg7[%swap3A_79, %swap3A_80] {strides = array<i32>} : memref<200x128xf32, #tpu.memory_space<vmem>>, vector<1x16xf32>,
      %swap3A_82 = vector.shape_cast %swap3A_81 : vector<1x16xf32> to vector<16xf32>
      %swap3A_83 = vector.shape_cast %broadcast_in_dim3A_78 : vector<16xf32> to vector<1x16xf32>
      tpu.vector_store %arg7[%swap3A_79, %swap3A_80], %swap3A_83 {strides = array<i32>} : memref<200x128xf32, #tpu.memory_space<vmem>>, vector<1x16xf32>,
      %broadcast_in_dim3A_84 = arith.constant 0.000000e+00 : f32
      %broadcast_in_dim3A_85 = vector.broadcast %broadcast_in_dim3A_84 : f32 to vector<16xf32>
      %swap3A_86 = arith.index_cast %scan3A_36 : i32 to index
      %swap3A_87 = arith.constant 112 : index
      %swap3A_88 = tpu.vector_load %arg7[%swap3A_86, %swap3A_87] {strides = array<i32>} : memref<200x128xf32, #tpu.memory_space<vmem>>, vector<1x16xf32>,
      %swap3A_89 = vector.shape_cast %swap3A_88 : vector<1x16xf32> to vector<16xf32>
      %swap3A_90 = vector.shape_cast %broadcast_in_dim3A_85 : vector<16xf32> to vector<1x16xf32>
      tpu.vector_store %arg7[%swap3A_86, %swap3A_87], %swap3A_90 {strides = array<i32>} : memref<200x128xf32, #tpu.memory_space<vmem>>, vector<1x16xf32>,
    }
    %scan3A_6 = arith.constant 200 : i32
    %mul3A_7 = arith.constant 632 : i32
    %mul3A_8 = arith.muli %arg1, %mul3A_7 : i32
    %add3A_9 = arith.constant 0 : i32
    %add3A_10 = arith.addi %mul3A_8, %add3A_9 : i32
    "tpu.region"() ({
      %run_scoped3A = tpu.sem_alloc : memref<!tpu.dma_semaphore, #tpu.memory_space<semaphore_mem>>
      %dma_start3A = arith.constant 0 : i32
      %dma_start3A_36 = arith.constant 0 : i32
      %dma_start3A_37 = tpu.memref_slice %arg7[%dma_start3A, %dma_start3A_36] : memref<200x128xf32, #tpu.memory_space<vmem>> -> memref<200x128xf32, #tpu.memory_space<vmem>>
      %dma_start3A_38 = arith.constant 0 : i32
      %dma_start3A_39 = tpu.memref_slice %arg8[%add3A_10, %dma_start3A_38] : memref<10112x128xf32, #tpu.memory_space<vmem_shared>> -> memref<200x128xf32, #tpu.memory_space<vmem_shared>>
      %dma_start3A_40 = arith.constant 0 : i32
      %dma_start3A_41 = tpu.memref_slice %arg8[%add3A_10, %dma_start3A_40] : memref<10112x128xf32, #tpu.memory_space<vmem_shared>> -> memref<200x128xf32, #tpu.memory_space<vmem_shared>>
      %dma_start3A_42 = arith.constant 0 : i32
      %dma_start3A_43 = arith.constant 0 : i32
      %dma_start3A_44 = tpu.memref_slice %arg7[%dma_start3A_42, %dma_start3A_43] : memref<200x128xf32, #tpu.memory_space<vmem>> -> memref<200x128xf32, #tpu.memory_space<vmem>>
      tpu.enqueue_dma source(%dma_start3A_44 : memref<200x128xf32, #tpu.memory_space<vmem>>) target(%dma_start3A_41 : memref<200x128xf32, #tpu.memory_space<vmem_shared>>) target_semaphore(%run_scoped3A : memref<!tpu.dma_semaphore, #tpu.memory_space<semaphore_mem>>)
      %dma_wait3A = arith.constant 0 : i32
      %dma_wait3A_45 = arith.constant 0 : i32
      %dma_wait3A_46 = tpu.memref_slice %arg7[%dma_wait3A, %dma_wait3A_45] : memref<200x128xf32, #tpu.memory_space<vmem>> -> memref<200x128xf32, #tpu.memory_space<vmem>>
      %dma_wait3A_47 = arith.constant 0 : i32
      %dma_wait3A_48 = tpu.memref_slice %arg8[%add3A_10, %dma_wait3A_47] : memref<10112x128xf32, #tpu.memory_space<vmem_shared>> -> memref<200x128xf32, #tpu.memory_space<vmem_shared>>
      %dma_wait3A_49 = arith.constant 0 : i32
      %dma_wait3A_50 = tpu.memref_slice %arg8[%add3A_10, %dma_wait3A_49] : memref<10112x128xf32, #tpu.memory_space<vmem_shared>> -> memref<200x128xf32, #tpu.memory_space<vmem_shared>>
      %dma_wait3A_51 = arith.constant 0 : i32
      %dma_wait3A_52 = arith.constant 0 : i32
      %dma_wait3A_53 = tpu.memref_slice %arg7[%dma_wait3A_51, %dma_wait3A_52] : memref<200x128xf32, #tpu.memory_space<vmem>> -> memref<200x128xf32, #tpu.memory_space<vmem>>
      tpu.wait_dma2 semaphore(%run_scoped3A : memref<!tpu.dma_semaphore, #tpu.memory_space<semaphore_mem>>) src(%dma_wait3A_53 : memref<200x128xf32, #tpu.memory_space<vmem>>) dst(%dma_wait3A_50 : memref<200x128xf32, #tpu.memory_space<vmem_shared>>)
      tpu.yield
    }) : () -> ()
    %mul3A_11 = arith.constant 632 : i32
    %mul3A_12 = arith.muli %arg1, %mul3A_11 : i32
    %add3A_13 = arith.constant 200 : i32
    %add3A_14 = arith.addi %mul3A_12, %add3A_13 : i32
    "tpu.region"() ({
      %run_scoped3A = tpu.sem_alloc : memref<!tpu.dma_semaphore, #tpu.memory_space<semaphore_mem>>
      %dma_start3A = arith.constant 0 : i32
      %dma_start3A_36 = arith.constant 0 : i32
      %dma_start3A_37 = tpu.memref_slice %arg7[%dma_start3A, %dma_start3A_36] : memref<200x128xf32, #tpu.memory_space<vmem>> -> memref<200x128xf32, #tpu.memory_space<vmem>>
      %dma_start3A_38 = arith.constant 0 : i32
      %dma_start3A_39 = tpu.memref_slice %arg8[%add3A_14, %dma_start3A_38] : memref<10112x128xf32, #tpu.memory_space<vmem_shared>> -> memref<200x128xf32, #tpu.memory_space<vmem_shared>>
      %dma_start3A_40 = arith.constant 0 : i32
      %dma_start3A_41 = tpu.memref_slice %arg8[%add3A_14, %dma_start3A_40] : memref<10112x128xf32, #tpu.memory_space<vmem_shared>> -> memref<200x128xf32, #tpu.memory_space<vmem_shared>>
      %dma_start3A_42 = arith.constant 0 : i32
      %dma_start3A_43 = arith.constant 0 : i32
      %dma_start3A_44 = tpu.memref_slice %arg7[%dma_start3A_42, %dma_start3A_43] : memref<200x128xf32, #tpu.memory_space<vmem>> -> memref<200x128xf32, #tpu.memory_space<vmem>>
      tpu.enqueue_dma source(%dma_start3A_44 : memref<200x128xf32, #tpu.memory_space<vmem>>) target(%dma_start3A_41 : memref<200x128xf32, #tpu.memory_space<vmem_shared>>) target_semaphore(%run_scoped3A : memref<!tpu.dma_semaphore, #tpu.memory_space<semaphore_mem>>)
      %dma_wait3A = arith.constant 0 : i32
      %dma_wait3A_45 = arith.constant 0 : i32
      %dma_wait3A_46 = tpu.memref_slice %arg7[%dma_wait3A, %dma_wait3A_45] : memref<200x128xf32, #tpu.memory_space<vmem>> -> memref<200x128xf32, #tpu.memory_space<vmem>>
      %dma_wait3A_47 = arith.constant 0 : i32
      %dma_wait3A_48 = tpu.memref_slice %arg8[%add3A_14, %dma_wait3A_47] : memref<10112x128xf32, #tpu.memory_space<vmem_shared>> -> memref<200x128xf32, #tpu.memory_space<vmem_shared>>
      %dma_wait3A_49 = arith.constant 0 : i32
      %dma_wait3A_50 = tpu.memref_slice %arg8[%add3A_14, %dma_wait3A_49] : memref<10112x128xf32, #tpu.memory_space<vmem_shared>> -> memref<200x128xf32, #tpu.memory_space<vmem_shared>>
      %dma_wait3A_51 = arith.constant 0 : i32
      %dma_wait3A_52 = arith.constant 0 : i32
      %dma_wait3A_53 = tpu.memref_slice %arg7[%dma_wait3A_51, %dma_wait3A_52] : memref<200x128xf32, #tpu.memory_space<vmem>> -> memref<200x128xf32, #tpu.memory_space<vmem>>
      tpu.wait_dma2 semaphore(%run_scoped3A : memref<!tpu.dma_semaphore, #tpu.memory_space<semaphore_mem>>) src(%dma_wait3A_53 : memref<200x128xf32, #tpu.memory_space<vmem>>) dst(%dma_wait3A_50 : memref<200x128xf32, #tpu.memory_space<vmem_shared>>)
      tpu.yield
    }) : () -> ()
    %mul3A_15 = arith.constant 632 : i32
    %mul3A_16 = arith.muli %arg1, %mul3A_15 : i32
    %add3A_17 = arith.constant 400 : i32
    %add3A_18 = arith.addi %mul3A_16, %add3A_17 : i32
    "tpu.region"() ({
      %run_scoped3A = tpu.sem_alloc : memref<!tpu.dma_semaphore, #tpu.memory_space<semaphore_mem>>
      %dma_start3A = arith.constant 0 : i32
      %dma_start3A_36 = arith.constant 0 : i32
      %dma_start3A_37 = tpu.memref_slice %arg7[%dma_start3A, %dma_start3A_36] : memref<200x128xf32, #tpu.memory_space<vmem>> -> memref<200x128xf32, #tpu.memory_space<vmem>>
      %dma_start3A_38 = arith.constant 0 : i32
      %dma_start3A_39 = tpu.memref_slice %arg8[%add3A_18, %dma_start3A_38] : memref<10112x128xf32, #tpu.memory_space<vmem_shared>> -> memref<200x128xf32, #tpu.memory_space<vmem_shared>>
      %dma_start3A_40 = arith.constant 0 : i32
      %dma_start3A_41 = tpu.memref_slice %arg8[%add3A_18, %dma_start3A_40] : memref<10112x128xf32, #tpu.memory_space<vmem_shared>> -> memref<200x128xf32, #tpu.memory_space<vmem_shared>>
      %dma_start3A_42 = arith.constant 0 : i32
      %dma_start3A_43 = arith.constant 0 : i32
      %dma_start3A_44 = tpu.memref_slice %arg7[%dma_start3A_42, %dma_start3A_43] : memref<200x128xf32, #tpu.memory_space<vmem>> -> memref<200x128xf32, #tpu.memory_space<vmem>>
      tpu.enqueue_dma source(%dma_start3A_44 : memref<200x128xf32, #tpu.memory_space<vmem>>) target(%dma_start3A_41 : memref<200x128xf32, #tpu.memory_space<vmem_shared>>) target_semaphore(%run_scoped3A : memref<!tpu.dma_semaphore, #tpu.memory_space<semaphore_mem>>)
      %dma_wait3A = arith.constant 0 : i32
      %dma_wait3A_45 = arith.constant 0 : i32
      %dma_wait3A_46 = tpu.memref_slice %arg7[%dma_wait3A, %dma_wait3A_45] : memref<200x128xf32, #tpu.memory_space<vmem>> -> memref<200x128xf32, #tpu.memory_space<vmem>>
      %dma_wait3A_47 = arith.constant 0 : i32
      %dma_wait3A_48 = tpu.memref_slice %arg8[%add3A_18, %dma_wait3A_47] : memref<10112x128xf32, #tpu.memory_space<vmem_shared>> -> memref<200x128xf32, #tpu.memory_space<vmem_shared>>
      %dma_wait3A_49 = arith.constant 0 : i32
      %dma_wait3A_50 = tpu.memref_slice %arg8[%add3A_18, %dma_wait3A_49] : memref<10112x128xf32, #tpu.memory_space<vmem_shared>> -> memref<200x128xf32, #tpu.memory_space<vmem_shared>>
      %dma_wait3A_51 = arith.constant 0 : i32
      %dma_wait3A_52 = arith.constant 0 : i32
      %dma_wait3A_53 = tpu.memref_slice %arg7[%dma_wait3A_51, %dma_wait3A_52] : memref<200x128xf32, #tpu.memory_space<vmem>> -> memref<200x128xf32, #tpu.memory_space<vmem>>
      tpu.wait_dma2 semaphore(%run_scoped3A : memref<!tpu.dma_semaphore, #tpu.memory_space<semaphore_mem>>) src(%dma_wait3A_53 : memref<200x128xf32, #tpu.memory_space<vmem>>) dst(%dma_wait3A_50 : memref<200x128xf32, #tpu.memory_space<vmem_shared>>)
      tpu.yield
    }) : () -> ()
    %mul3A_19 = arith.constant 632 : i32
    %mul3A_20 = arith.muli %arg1, %mul3A_19 : i32
    %add3A_21 = arith.constant 600 : i32
    %add3A_22 = arith.addi %mul3A_20, %add3A_21 : i32
    "tpu.region"() ({
      %run_scoped3A = tpu.sem_alloc : memref<!tpu.dma_semaphore, #tpu.memory_space<semaphore_mem>>
      %dma_start3A = arith.constant 0 : i32
      %dma_start3A_36 = arith.constant 0 : i32
      %dma_start3A_37 = tpu.memref_slice %arg7[%dma_start3A, %dma_start3A_36] : memref<200x128xf32, #tpu.memory_space<vmem>> -> memref<32x128xf32, #tpu.memory_space<vmem>>
      %dma_start3A_38 = arith.constant 0 : i32
      %dma_start3A_39 = tpu.memref_slice %arg8[%add3A_22, %dma_start3A_38] : memref<10112x128xf32, #tpu.memory_space<vmem_shared>> -> memref<32x128xf32, #tpu.memory_space<vmem_shared>>
      %dma_start3A_40 = arith.constant 0 : i32
      %dma_start3A_41 = tpu.memref_slice %arg8[%add3A_22, %dma_start3A_40] : memref<10112x128xf32, #tpu.memory_space<vmem_shared>> -> memref<32x128xf32, #tpu.memory_space<vmem_shared>>
      %dma_start3A_42 = arith.constant 0 : i32
      %dma_start3A_43 = arith.constant 0 : i32
      %dma_start3A_44 = tpu.memref_slice %arg7[%dma_start3A_42, %dma_start3A_43] : memref<200x128xf32, #tpu.memory_space<vmem>> -> memref<32x128xf32, #tpu.memory_space<vmem>>
      tpu.enqueue_dma source(%dma_start3A_44 : memref<32x128xf32, #tpu.memory_space<vmem>>) target(%dma_start3A_41 : memref<32x128xf32, #tpu.memory_space<vmem_shared>>) target_semaphore(%run_scoped3A : memref<!tpu.dma_semaphore, #tpu.memory_space<semaphore_mem>>)
      %dma_wait3A = arith.constant 0 : i32
      %dma_wait3A_45 = arith.constant 0 : i32
      %dma_wait3A_46 = tpu.memref_slice %arg7[%dma_wait3A, %dma_wait3A_45] : memref<200x128xf32, #tpu.memory_space<vmem>> -> memref<32x128xf32, #tpu.memory_space<vmem>>
      %dma_wait3A_47 = arith.constant 0 : i32
      %dma_wait3A_48 = tpu.memref_slice %arg8[%add3A_22, %dma_wait3A_47] : memref<10112x128xf32, #tpu.memory_space<vmem_shared>> -> memref<32x128xf32, #tpu.memory_space<vmem_shared>>
      %dma_wait3A_49 = arith.constant 0 : i32
      %dma_wait3A_50 = tpu.memref_slice %arg8[%add3A_22, %dma_wait3A_49] : memref<10112x128xf32, #tpu.memory_space<vmem_shared>> -> memref<32x128xf32, #tpu.memory_space<vmem_shared>>
      %dma_wait3A_51 = arith.constant 0 : i32
      %dma_wait3A_52 = arith.constant 0 : i32
      %dma_wait3A_53 = tpu.memref_slice %arg7[%dma_wait3A_51, %dma_wait3A_52] : memref<200x128xf32, #tpu.memory_space<vmem>> -> memref<32x128xf32, #tpu.memory_space<vmem>>
      tpu.wait_dma2 semaphore(%run_scoped3A : memref<!tpu.dma_semaphore, #tpu.memory_space<semaphore_mem>>) src(%dma_wait3A_53 : memref<32x128xf32, #tpu.memory_space<vmem>>) dst(%dma_wait3A_50 : memref<32x128xf32, #tpu.memory_space<vmem_shared>>)
      tpu.yield
    }) : () -> ()
    %barrier3A = arith.constant 0 : index
    tpu.barrier barrier_id(%barrier3A)
    %scan3A_23 = arith.constant 0 : i32
    %scan3A_24 = arith.constant 50 : i32
    %scan3A_25 = arith.addi %scan3A_23, %scan3A_24 : i32
    %scan3A_26 = arith.constant 1 : i32
    scf.for %scan3A_36 = %scan3A_23 to %scan3A_25 step %scan3A_26  : i32 {
      %mul3A_37 = arith.constant 200 : i32
      %mul3A_38 = arith.muli %scan3A_36, %mul3A_37 : i32
      %add3A_39 = arith.addi %mul3A_2, %mul3A_38 : i32
      "tpu.region"() ({
        %run_scoped3A = tpu.sem_alloc : memref<!tpu.dma_semaphore, #tpu.memory_space<semaphore_mem>>
        %dma_start3A = tpu.memref_slice %arg3[%add3A_39] : memref<320000xi32, #tpu.memory_space<hbm>> -> memref<200xi32, #tpu.memory_space<hbm>>
        %dma_start3A_40 = tpu.memref_slice %arg3[%add3A_39] : memref<320000xi32, #tpu.memory_space<hbm>> -> memref<200xi32, #tpu.memory_space<hbm>>
        tpu.enqueue_dma source(%dma_start3A_40 : memref<200xi32, #tpu.memory_space<hbm>>) target(%arg6 : memref<200xi32, #tpu.memory_space<vmem>>) target_semaphore(%run_scoped3A : memref<!tpu.dma_semaphore, #tpu.memory_space<semaphore_mem>>)
        %dma_wait3A = tpu.memref_slice %arg3[%add3A_39] : memref<320000xi32, #tpu.memory_space<hbm>> -> memref<200xi32, #tpu.memory_space<hbm>>
        %dma_wait3A_41 = tpu.memref_slice %arg3[%add3A_39] : memref<320000xi32, #tpu.memory_space<hbm>> -> memref<200xi32, #tpu.memory_space<hbm>>
        tpu.wait_dma2 semaphore(%run_scoped3A : memref<!tpu.dma_semaphore, #tpu.memory_space<semaphore_mem>>) src(%dma_wait3A_41 : memref<200xi32, #tpu.memory_space<hbm>>) dst(%arg6 : memref<200xi32, #tpu.memory_space<vmem>>)
        tpu.yield
      }) : () -> ()
      "tpu.region"() ({
        %run_scoped3A = tpu.sem_alloc : memref<!tpu.dma_semaphore, #tpu.memory_space<semaphore_mem>>
        %dma_start3A = arith.constant 0 : i32
        %dma_start3A_40 = tpu.memref_slice %arg2[%add3A_39, %dma_start3A] : memref<320000x128xf32, #tpu.memory_space<hbm>> -> memref<200x128xf32, #tpu.memory_space<hbm>>
        %dma_start3A_41 = arith.constant 0 : i32
        %dma_start3A_42 = tpu.memref_slice %arg2[%add3A_39, %dma_start3A_41] : memref<320000x128xf32, #tpu.memory_space<hbm>> -> memref<200x128xf32, #tpu.memory_space<hbm>>
        tpu.enqueue_dma source(%dma_start3A_42 : memref<200x128xf32, #tpu.memory_space<hbm>>) target(%arg7 : memref<200x128xf32, #tpu.memory_space<vmem>>) target_semaphore(%run_scoped3A : memref<!tpu.dma_semaphore, #tpu.memory_space<semaphore_mem>>)
        %dma_wait3A = arith.constant 0 : i32
        %dma_wait3A_43 = tpu.memref_slice %arg2[%add3A_39, %dma_wait3A] : memref<320000x128xf32, #tpu.memory_space<hbm>> -> memref<200x128xf32, #tpu.memory_space<hbm>>
        %dma_wait3A_44 = arith.constant 0 : i32
        %dma_wait3A_45 = tpu.memref_slice %arg2[%add3A_39, %dma_wait3A_44] : memref<320000x128xf32, #tpu.memory_space<hbm>> -> memref<200x128xf32, #tpu.memory_space<hbm>>
        tpu.wait_dma2 semaphore(%run_scoped3A : memref<!tpu.dma_semaphore, #tpu.memory_space<semaphore_mem>>) src(%dma_wait3A_45 : memref<200x128xf32, #tpu.memory_space<hbm>>) dst(%arg7 : memref<200x128xf32, #tpu.memory_space<vmem>>)
        tpu.yield
      }) : () -> ()
      "tpu.region"() ({
        %run_scoped3A = tpu.sem_alloc : memref<!tpu.dma_semaphore, #tpu.memory_space<semaphore_mem>>
        %dma_start3A = arith.constant 0 : i32
        %dma_start3A_40 = arith.constant 0 : i32
        %dma_start3A_41 = tpu.memref_slice %arg8[%dma_start3A, %dma_start3A_40] : memref<10112x128xf32, #tpu.memory_space<vmem_shared>> -> memref<10112x128xf32, #tpu.memory_space<vmem_shared>>
        tpu.enqueue_indirect_dma source(%arg7 : memref<200x128xf32, #tpu.memory_space<vmem>>) target(%dma_start3A_41 : memref<10112x128xf32, #tpu.memory_space<vmem_shared>>) offsets(%arg6 : memref<200xi32, #tpu.memory_space<vmem>>) semaphore(%run_scoped3A : memref<!tpu.dma_semaphore, #tpu.memory_space<semaphore_mem>>) {add = true}
        %dma_wait3A = arith.constant 0 : i32
        %dma_wait3A_42 = arith.constant 0 : i32
        %dma_wait3A_43 = tpu.memref_slice %arg8[%dma_wait3A, %dma_wait3A_42] : memref<10112x128xf32, #tpu.memory_space<vmem_shared>> -> memref<10112x128xf32, #tpu.memory_space<vmem_shared>>
        tpu.wait_indirect_dma semaphore(%run_scoped3A : memref<!tpu.dma_semaphore, #tpu.memory_space<semaphore_mem>>) src(%arg7 : memref<200x128xf32, #tpu.memory_space<vmem>>) dst(%dma_wait3A_43 : memref<10112x128xf32, #tpu.memory_space<vmem_shared>>)
        tpu.yield
      }) : () -> ()
    }
    %scan3A_27 = arith.constant 50 : i32
    %barrier3A_28 = arith.constant 0 : index
    tpu.barrier barrier_id(%barrier3A_28)
    %eq3A = arith.constant 0 : i32
    %eq3A_29 = arith.cmpi eq, %arg0, %eq3A : i32
    %convert_element_type3A = arith.extui %eq3A_29 : i1 to i32
    %cond3A = arith.constant 0 : i32
    %cond3A_30 = arith.cmpi ne, %convert_element_type3A, %cond3A : i32
    scf.if %cond3A_30 {
      %mul3A_36 = arith.constant 632 : i32
      %mul3A_37 = arith.muli %arg1, %mul3A_36 : i32
      %mul3A_38 = arith.constant 632 : i32
      %mul3A_39 = arith.muli %arg1, %mul3A_38 : i32
      "tpu.region"() ({
        %run_scoped3A = tpu.sem_alloc : memref<!tpu.dma_semaphore, #tpu.memory_space<semaphore_mem>>
        %dma_start3A = arith.constant 0 : i32
        %dma_start3A_40 = tpu.memref_slice %arg4[%mul3A_39, %dma_start3A] : memref<10112x128xf32, #tpu.memory_space<hbm>> -> memref<632x128xf32, #tpu.memory_space<hbm>>
        %dma_start3A_41 = arith.constant 0 : i32
        %dma_start3A_42 = tpu.memref_slice %arg8[%mul3A_37, %dma_start3A_41] : memref<10112x128xf32, #tpu.memory_space<vmem_shared>> -> memref<632x128xf32, #tpu.memory_space<vmem_shared>>
        tpu.enqueue_dma source(%dma_start3A_42 : memref<632x128xf32, #tpu.memory_space<vmem_shared>>) target(%dma_start3A_40 : memref<632x128xf32, #tpu.memory_space<hbm>>) target_semaphore(%run_scoped3A : memref<!tpu.dma_semaphore, #tpu.memory_space<semaphore_mem>>)
        %dma_wait3A = arith.constant 0 : i32
        %dma_wait3A_43 = tpu.memref_slice %arg4[%mul3A_39, %dma_wait3A] : memref<10112x128xf32, #tpu.memory_space<hbm>> -> memref<632x128xf32, #tpu.memory_space<hbm>>
        %dma_wait3A_44 = arith.constant 0 : i32
        %dma_wait3A_45 = tpu.memref_slice %arg8[%mul3A_37, %dma_wait3A_44] : memref<10112x128xf32, #tpu.memory_space<vmem_shared>> -> memref<632x128xf32, #tpu.memory_space<vmem_shared>>
        tpu.wait_dma2 semaphore(%run_scoped3A : memref<!tpu.dma_semaphore, #tpu.memory_space<semaphore_mem>>) src(%dma_wait3A_45 : memref<632x128xf32, #tpu.memory_space<vmem_shared>>) dst(%dma_wait3A_43 : memref<632x128xf32, #tpu.memory_space<hbm>>)
        tpu.yield
      }) : () -> ()
    } else {
    }
    %eq3A_31 = arith.constant 1 : i32
    %eq3A_32 = arith.cmpi eq, %arg0, %eq3A_31 : i32
    %convert_element_type3A_33 = arith.extui %eq3A_32 : i1 to i32
    %cond3A_34 = arith.constant 0 : i32
    %cond3A_35 = arith.cmpi ne, %convert_element_type3A_33, %cond3A_34 : i32
    scf.if %cond3A_35 {
      %mul3A_36 = arith.constant 632 : i32
      %mul3A_37 = arith.muli %arg1, %mul3A_36 : i32
      %mul3A_38 = arith.constant 632 : i32
      %mul3A_39 = arith.muli %arg1, %mul3A_38 : i32
      "tpu.region"() ({
        %run_scoped3A = tpu.sem_alloc : memref<!tpu.dma_semaphore, #tpu.memory_space<semaphore_mem>>
        %dma_start3A = arith.constant 0 : i32
        %dma_start3A_40 = tpu.memref_slice %arg5[%mul3A_39, %dma_start3A] : memref<10112x128xf32, #tpu.memory_space<hbm>> -> memref<632x128xf32, #tpu.memory_space<hbm>>
        %dma_start3A_41 = arith.constant 0 : i32
        %dma_start3A_42 = tpu.memref_slice %arg8[%mul3A_37, %dma_start3A_41] : memref<10112x128xf32, #tpu.memory_space<vmem_shared>> -> memref<632x128xf32, #tpu.memory_space<vmem_shared>>
        tpu.enqueue_dma source(%dma_start3A_42 : memref<632x128xf32, #tpu.memory_space<vmem_shared>>) target(%dma_start3A_40 : memref<632x128xf32, #tpu.memory_space<hbm>>) target_semaphore(%run_scoped3A : memref<!tpu.dma_semaphore, #tpu.memory_space<semaphore_mem>>)
        %dma_wait3A = arith.constant 0 : i32
        %dma_wait3A_43 = tpu.memref_slice %arg5[%mul3A_39, %dma_wait3A] : memref<10112x128xf32, #tpu.memory_space<hbm>> -> memref<632x128xf32, #tpu.memory_space<hbm>>
        %dma_wait3A_44 = arith.constant 0 : i32
        %dma_wait3A_45 = tpu.memref_slice %arg8[%mul3A_37, %dma_wait3A_44] : memref<10112x128xf32, #tpu.memory_space<vmem_shared>> -> memref<632x128xf32, #tpu.memory_space<vmem_shared>>
        tpu.wait_dma2 semaphore(%run_scoped3A : memref<!tpu.dma_semaphore, #tpu.memory_space<semaphore_mem>>) src(%dma_wait3A_45 : memref<632x128xf32, #tpu.memory_space<vmem_shared>>) dst(%dma_wait3A_43 : memref<632x128xf32, #tpu.memory_space<hbm>>)
        tpu.yield
      }) : () -> ()
    } else {
    }
    return
  }
}

#map = affine_map<(d0, d1) -> (0, 0)>
#map1 = affine_map<(d0, d1) -> (0)>
module attributes {stable_mosaic.version = 14 : i64} {
  func.func @gather_diff(%arg0: i32, %arg1: i32, %arg2: memref<10000x128xf32, #tpu.memory_space<hbm>>, %arg3: memref<320000xi32, #tpu.memory_space<hbm>>, %arg4: memref<320000xi32, #tpu.memory_space<hbm>>, %arg5: memref<320000x128xf32, #tpu.memory_space<hbm>>, %arg6: memref<10000xi32, #tpu.memory_space<vmem>>, %arg7: memref<10000xi32, #tpu.memory_space<vmem>>, %arg8: memref<80x128xf32, #tpu.memory_space<vmem>>, %arg9: memref<80x128xf32, #tpu.memory_space<vmem>>, %arg10: memref<80x128xf32, #tpu.memory_space<vmem>>, %arg11: memref<80x128xf32, #tpu.memory_space<vmem>>, %arg12: memref<80x128xf32, #tpu.memory_space<vmem>>, %arg13: memref<80x128xf32, #tpu.memory_space<vmem>>, %arg14: memref<!tpu.dma_semaphore, #tpu.memory_space<semaphore_mem>>, %arg15: memref<!tpu.dma_semaphore, #tpu.memory_space<semaphore_mem>>, %arg16: memref<!tpu.dma_semaphore, #tpu.memory_space<semaphore_mem>>, %arg17: memref<!tpu.dma_semaphore, #tpu.memory_space<semaphore_mem>>, %arg18: memref<!tpu.dma_semaphore, #tpu.memory_space<semaphore_mem>>, %arg19: memref<!tpu.dma_semaphore, #tpu.memory_space<semaphore_mem>>) attributes {dimension_semantics = [#tpu.dimension_semantics<core_parallel>, #tpu.dimension_semantics<subcore_parallel>], iteration_bounds = array<i64: 2, 16>, scalar_prefetch = 0 : i64, scratch_operands = 14 : i64, tpu.core_type = #tpu.core_type<sc_vector_subcore>, window_params = [{transform_indices = #map}, {transform_indices = #map1}, {transform_indices = #map1}, {transform_indices = #map}]} {
    %mul3A = arith.constant 2 : i32
    %mul3A_0 = arith.muli %arg1, %mul3A : i32
    %add3A = arith.addi %mul3A_0, %arg0 : i32
    %mul3A_1 = arith.constant 10000 : i32
    %mul3A_2 = arith.muli %add3A, %mul3A_1 : i32
    "tpu.region"() ({
      %run_scoped3A = tpu.sem_alloc : memref<!tpu.dma_semaphore, #tpu.memory_space<semaphore_mem>>
      %dma_start3A_26 = tpu.memref_slice %arg3[%mul3A_2] : memref<320000xi32, #tpu.memory_space<hbm>> -> memref<10000xi32, #tpu.memory_space<hbm>>
      %dma_start3A_27 = tpu.memref_slice %arg3[%mul3A_2] : memref<320000xi32, #tpu.memory_space<hbm>> -> memref<10000xi32, #tpu.memory_space<hbm>>
      tpu.enqueue_dma source(%dma_start3A_27 : memref<10000xi32, #tpu.memory_space<hbm>>) target(%arg6 : memref<10000xi32, #tpu.memory_space<vmem>>) target_semaphore(%run_scoped3A : memref<!tpu.dma_semaphore, #tpu.memory_space<semaphore_mem>>)
      %dma_wait3A_28 = tpu.memref_slice %arg3[%mul3A_2] : memref<320000xi32, #tpu.memory_space<hbm>> -> memref<10000xi32, #tpu.memory_space<hbm>>
      %dma_wait3A_29 = tpu.memref_slice %arg3[%mul3A_2] : memref<320000xi32, #tpu.memory_space<hbm>> -> memref<10000xi32, #tpu.memory_space<hbm>>
      tpu.wait_dma2 semaphore(%run_scoped3A : memref<!tpu.dma_semaphore, #tpu.memory_space<semaphore_mem>>) src(%dma_wait3A_29 : memref<10000xi32, #tpu.memory_space<hbm>>) dst(%arg6 : memref<10000xi32, #tpu.memory_space<vmem>>)
      tpu.yield
    }) : () -> ()
    "tpu.region"() ({
      %run_scoped3A = tpu.sem_alloc : memref<!tpu.dma_semaphore, #tpu.memory_space<semaphore_mem>>
      %dma_start3A_26 = tpu.memref_slice %arg4[%mul3A_2] : memref<320000xi32, #tpu.memory_space<hbm>> -> memref<10000xi32, #tpu.memory_space<hbm>>
      %dma_start3A_27 = tpu.memref_slice %arg4[%mul3A_2] : memref<320000xi32, #tpu.memory_space<hbm>> -> memref<10000xi32, #tpu.memory_space<hbm>>
      tpu.enqueue_dma source(%dma_start3A_27 : memref<10000xi32, #tpu.memory_space<hbm>>) target(%arg7 : memref<10000xi32, #tpu.memory_space<vmem>>) target_semaphore(%run_scoped3A : memref<!tpu.dma_semaphore, #tpu.memory_space<semaphore_mem>>)
      %dma_wait3A_28 = tpu.memref_slice %arg4[%mul3A_2] : memref<320000xi32, #tpu.memory_space<hbm>> -> memref<10000xi32, #tpu.memory_space<hbm>>
      %dma_wait3A_29 = tpu.memref_slice %arg4[%mul3A_2] : memref<320000xi32, #tpu.memory_space<hbm>> -> memref<10000xi32, #tpu.memory_space<hbm>>
      tpu.wait_dma2 semaphore(%run_scoped3A : memref<!tpu.dma_semaphore, #tpu.memory_space<semaphore_mem>>) src(%dma_wait3A_29 : memref<10000xi32, #tpu.memory_space<hbm>>) dst(%arg7 : memref<10000xi32, #tpu.memory_space<vmem>>)
      tpu.yield
    }) : () -> ()
    %multiple_of3A = arith.constant 0 : i32
    %multiple_of3A_3 = tpu.assume_multiple %multiple_of3A, 8 : i32
    %dma_start3A = tpu.memref_slice %arg6[%multiple_of3A_3] : memref<10000xi32, #tpu.memory_space<vmem>> -> memref<80xi32, #tpu.memory_space<vmem>>
    %dma_start3A_4 = arith.constant 0 : i32
    %dma_start3A_5 = arith.constant 0 : i32
    %dma_start3A_6 = tpu.memref_slice %arg2[%dma_start3A_4, %dma_start3A_5] : memref<10000x128xf32, #tpu.memory_space<hbm>> -> memref<10000x128xf32, #tpu.memory_space<hbm>>
    tpu.enqueue_indirect_dma source(%dma_start3A_6 : memref<10000x128xf32, #tpu.memory_space<hbm>>) target(%arg8 : memref<80x128xf32, #tpu.memory_space<vmem>>) offsets(%dma_start3A : memref<80xi32, #tpu.memory_space<vmem>>) semaphore(%arg14 : memref<!tpu.dma_semaphore, #tpu.memory_space<semaphore_mem>>)
    %dma_start3A_7 = tpu.memref_slice %arg7[%multiple_of3A_3] : memref<10000xi32, #tpu.memory_space<vmem>> -> memref<80xi32, #tpu.memory_space<vmem>>
    %dma_start3A_8 = arith.constant 0 : i32
    %dma_start3A_9 = arith.constant 0 : i32
    %dma_start3A_10 = tpu.memref_slice %arg2[%dma_start3A_8, %dma_start3A_9] : memref<10000x128xf32, #tpu.memory_space<hbm>> -> memref<10000x128xf32, #tpu.memory_space<hbm>>
    tpu.enqueue_indirect_dma source(%dma_start3A_10 : memref<10000x128xf32, #tpu.memory_space<hbm>>) target(%arg9 : memref<80x128xf32, #tpu.memory_space<vmem>>) offsets(%dma_start3A_7 : memref<80xi32, #tpu.memory_space<vmem>>) semaphore(%arg15 : memref<!tpu.dma_semaphore, #tpu.memory_space<semaphore_mem>>)
    %scan3A = arith.constant 0 : i32
    %scan3A_11 = arith.constant 63 : i32
    %scan3A_12 = arith.addi %scan3A, %scan3A_11 : i32
    %scan3A_13 = arith.constant 1 : i32
    scf.for %scan3A_26 = %scan3A to %scan3A_12 step %scan3A_13  : i32 {
      %mul3A_27 = arith.constant 2 : i32
      %mul3A_28 = arith.muli %scan3A_26, %mul3A_27 : i32
      %add3A_29 = arith.constant 1 : i32
      %add3A_30 = arith.addi %mul3A_28, %add3A_29 : i32
      %lt3A = arith.constant 125 : i32
      %lt3A_31 = arith.cmpi slt, %add3A_30, %lt3A : i32
      %convert_element_type3A = arith.extui %lt3A_31 : i1 to i32
      %cond3A = arith.constant 0 : i32
      %cond3A_32 = arith.cmpi ne, %convert_element_type3A, %cond3A : i32
      scf.if %cond3A_32 {
        %add3A_75 = arith.constant 1 : i32
        %add3A_76 = arith.addi %mul3A_28, %add3A_75 : i32
        %mul3A_77 = arith.constant 80 : i32
        %mul3A_78 = arith.muli %add3A_76, %mul3A_77 : i32
        %multiple_of3A_79 = tpu.assume_multiple %mul3A_78, 8 : i32
        %dma_start3A_80 = tpu.memref_slice %arg6[%multiple_of3A_79] : memref<10000xi32, #tpu.memory_space<vmem>> -> memref<80xi32, #tpu.memory_space<vmem>>
        %dma_start3A_81 = arith.constant 0 : i32
        %dma_start3A_82 = arith.constant 0 : i32
        %dma_start3A_83 = tpu.memref_slice %arg2[%dma_start3A_81, %dma_start3A_82] : memref<10000x128xf32, #tpu.memory_space<hbm>> -> memref<10000x128xf32, #tpu.memory_space<hbm>>
        tpu.enqueue_indirect_dma source(%dma_start3A_83 : memref<10000x128xf32, #tpu.memory_space<hbm>>) target(%arg11 : memref<80x128xf32, #tpu.memory_space<vmem>>) offsets(%dma_start3A_80 : memref<80xi32, #tpu.memory_space<vmem>>) semaphore(%arg16 : memref<!tpu.dma_semaphore, #tpu.memory_space<semaphore_mem>>)
        %dma_start3A_84 = tpu.memref_slice %arg7[%multiple_of3A_79] : memref<10000xi32, #tpu.memory_space<vmem>> -> memref<80xi32, #tpu.memory_space<vmem>>
        %dma_start3A_85 = arith.constant 0 : i32
        %dma_start3A_86 = arith.constant 0 : i32
        %dma_start3A_87 = tpu.memref_slice %arg2[%dma_start3A_85, %dma_start3A_86] : memref<10000x128xf32, #tpu.memory_space<hbm>> -> memref<10000x128xf32, #tpu.memory_space<hbm>>
        tpu.enqueue_indirect_dma source(%dma_start3A_87 : memref<10000x128xf32, #tpu.memory_space<hbm>>) target(%arg12 : memref<80x128xf32, #tpu.memory_space<vmem>>) offsets(%dma_start3A_84 : memref<80xi32, #tpu.memory_space<vmem>>) semaphore(%arg17 : memref<!tpu.dma_semaphore, #tpu.memory_space<semaphore_mem>>)
      } else {
      }
      %ge3A = arith.constant 2 : i32
      %ge3A_33 = arith.cmpi sge, %mul3A_28, %ge3A : i32
      %convert_element_type3A_34 = arith.extui %ge3A_33 : i1 to i32
      %cond3A_35 = arith.constant 0 : i32
      %cond3A_36 = arith.cmpi ne, %convert_element_type3A_34, %cond3A_35 : i32
      scf.if %cond3A_36 {
        %dma_wait3A_75 = arith.constant 0 : i32
        %dma_wait3A_76 = arith.constant 0 : i32
        %dma_wait3A_77 = tpu.memref_slice %arg2[%dma_wait3A_75, %dma_wait3A_76] : memref<10000x128xf32, #tpu.memory_space<hbm>> -> memref<80x128xf32, #tpu.memory_space<hbm>>
        %dma_wait3A_78 = arith.constant 0 : i32
        %dma_wait3A_79 = arith.constant 0 : i32
        %dma_wait3A_80 = tpu.memref_slice %arg2[%dma_wait3A_78, %dma_wait3A_79] : memref<10000x128xf32, #tpu.memory_space<hbm>> -> memref<80x128xf32, #tpu.memory_space<hbm>>
        tpu.wait_dma2 semaphore(%arg18 : memref<!tpu.dma_semaphore, #tpu.memory_space<semaphore_mem>>) src(%dma_wait3A_80 : memref<80x128xf32, #tpu.memory_space<hbm>>) dst(%arg10 : memref<80x128xf32, #tpu.memory_space<vmem>>)
      } else {
      }
      %dma_wait3A_37 = arith.constant 0 : i32
      %dma_wait3A_38 = arith.constant 0 : i32
      %dma_wait3A_39 = tpu.memref_slice %arg2[%dma_wait3A_37, %dma_wait3A_38] : memref<10000x128xf32, #tpu.memory_space<hbm>> -> memref<80x128xf32, #tpu.memory_space<hbm>>
      %dma_wait3A_40 = arith.constant 0 : i32
      %dma_wait3A_41 = arith.constant 0 : i32
      %dma_wait3A_42 = tpu.memref_slice %arg2[%dma_wait3A_40, %dma_wait3A_41] : memref<10000x128xf32, #tpu.memory_space<hbm>> -> memref<80x128xf32, #tpu.memory_space<hbm>>
      tpu.wait_dma2 semaphore(%arg14 : memref<!tpu.dma_semaphore, #tpu.memory_space<semaphore_mem>>) src(%dma_wait3A_42 : memref<80x128xf32, #tpu.memory_space<hbm>>) dst(%arg8 : memref<80x128xf32, #tpu.memory_space<vmem>>)
      %dma_wait3A_43 = arith.constant 0 : i32
      %dma_wait3A_44 = arith.constant 0 : i32
      %dma_wait3A_45 = tpu.memref_slice %arg2[%dma_wait3A_43, %dma_wait3A_44] : memref<10000x128xf32, #tpu.memory_space<hbm>> -> memref<80x128xf32, #tpu.memory_space<hbm>>
      %dma_wait3A_46 = arith.constant 0 : i32
      %dma_wait3A_47 = arith.constant 0 : i32
      %dma_wait3A_48 = tpu.memref_slice %arg2[%dma_wait3A_46, %dma_wait3A_47] : memref<10000x128xf32, #tpu.memory_space<hbm>> -> memref<80x128xf32, #tpu.memory_space<hbm>>
      tpu.wait_dma2 semaphore(%arg15 : memref<!tpu.dma_semaphore, #tpu.memory_space<semaphore_mem>>) src(%dma_wait3A_48 : memref<80x128xf32, #tpu.memory_space<hbm>>) dst(%arg9 : memref<80x128xf32, #tpu.memory_space<vmem>>)
      %scan3A_49 = arith.constant 0 : i32
      %scan3A_50 = arith.constant 80 : i32
      %scan3A_51 = arith.addi %scan3A_49, %scan3A_50 : i32
      %scan3A_52 = arith.constant 2 : i32
      scf.for %scan3A_75 = %scan3A_49 to %scan3A_51 step %scan3A_52  : i32 {
        %get3A = arith.index_cast %scan3A_75 : i32 to index
        %get3A_76 = arith.constant 0 : index
        %get3A_77 = tpu.vector_load %arg8[%get3A, %get3A_76] {strides = array<i32>} : memref<80x128xf32, #tpu.memory_space<vmem>>, vector<1x16xf32>,
        %get3A_78 = vector.shape_cast %get3A_77 : vector<1x16xf32> to vector<16xf32>
        %get3A_79 = arith.index_cast %scan3A_75 : i32 to index
        %get3A_80 = arith.constant 0 : index
        %get3A_81 = tpu.vector_load %arg9[%get3A_79, %get3A_80] {strides = array<i32>} : memref<80x128xf32, #tpu.memory_space<vmem>>, vector<1x16xf32>,
        %get3A_82 = vector.shape_cast %get3A_81 : vector<1x16xf32> to vector<16xf32>
        %sub3A = arith.subf %get3A_78, %get3A_82 : vector<16xf32>
        %swap3A = arith.index_cast %scan3A_75 : i32 to index
        %swap3A_83 = arith.constant 0 : index
        %swap3A_84 = tpu.vector_load %arg10[%swap3A, %swap3A_83] {strides = array<i32>} : memref<80x128xf32, #tpu.memory_space<vmem>>, vector<1x16xf32>,
        %swap3A_85 = vector.shape_cast %swap3A_84 : vector<1x16xf32> to vector<16xf32>
        %swap3A_86 = vector.shape_cast %sub3A : vector<16xf32> to vector<1x16xf32>
        tpu.vector_store %arg10[%swap3A, %swap3A_83], %swap3A_86 {strides = array<i32>} : memref<80x128xf32, #tpu.memory_space<vmem>>, vector<1x16xf32>,
        %get3A_87 = arith.index_cast %scan3A_75 : i32 to index
        %get3A_88 = arith.constant 16 : index
        %get3A_89 = tpu.vector_load %arg8[%get3A_87, %get3A_88] {strides = array<i32>} : memref<80x128xf32, #tpu.memory_space<vmem>>, vector<1x16xf32>,
        %get3A_90 = vector.shape_cast %get3A_89 : vector<1x16xf32> to vector<16xf32>
        %get3A_91 = arith.index_cast %scan3A_75 : i32 to index
        %get3A_92 = arith.constant 16 : index
        %get3A_93 = tpu.vector_load %arg9[%get3A_91, %get3A_92] {strides = array<i32>} : memref<80x128xf32, #tpu.memory_space<vmem>>, vector<1x16xf32>,
        %get3A_94 = vector.shape_cast %get3A_93 : vector<1x16xf32> to vector<16xf32>
        %sub3A_95 = arith.subf %get3A_90, %get3A_94 : vector<16xf32>
        %swap3A_96 = arith.index_cast %scan3A_75 : i32 to index
        %swap3A_97 = arith.constant 16 : index
        %swap3A_98 = tpu.vector_load %arg10[%swap3A_96, %swap3A_97] {strides = array<i32>} : memref<80x128xf32, #tpu.memory_space<vmem>>, vector<1x16xf32>,
        %swap3A_99 = vector.shape_cast %swap3A_98 : vector<1x16xf32> to vector<16xf32>
        %swap3A_100 = vector.shape_cast %sub3A_95 : vector<16xf32> to vector<1x16xf32>
        tpu.vector_store %arg10[%swap3A_96, %swap3A_97], %swap3A_100 {strides = array<i32>} : memref<80x128xf32, #tpu.memory_space<vmem>>, vector<1x16xf32>,
        %get3A_101 = arith.index_cast %scan3A_75 : i32 to index
        %get3A_102 = arith.constant 32 : index
        %get3A_103 = tpu.vector_load %arg8[%get3A_101, %get3A_102] {strides = array<i32>} : memref<80x128xf32, #tpu.memory_space<vmem>>, vector<1x16xf32>,
        %get3A_104 = vector.shape_cast %get3A_103 : vector<1x16xf32> to vector<16xf32>
        %get3A_105 = arith.index_cast %scan3A_75 : i32 to index
        %get3A_106 = arith.constant 32 : index
        %get3A_107 = tpu.vector_load %arg9[%get3A_105, %get3A_106] {strides = array<i32>} : memref<80x128xf32, #tpu.memory_space<vmem>>, vector<1x16xf32>,
        %get3A_108 = vector.shape_cast %get3A_107 : vector<1x16xf32> to vector<16xf32>
        %sub3A_109 = arith.subf %get3A_104, %get3A_108 : vector<16xf32>
        %swap3A_110 = arith.index_cast %scan3A_75 : i32 to index
        %swap3A_111 = arith.constant 32 : index
        %swap3A_112 = tpu.vector_load %arg10[%swap3A_110, %swap3A_111] {strides = array<i32>} : memref<80x128xf32, #tpu.memory_space<vmem>>, vector<1x16xf32>,
        %swap3A_113 = vector.shape_cast %swap3A_112 : vector<1x16xf32> to vector<16xf32>
        %swap3A_114 = vector.shape_cast %sub3A_109 : vector<16xf32> to vector<1x16xf32>
        tpu.vector_store %arg10[%swap3A_110, %swap3A_111], %swap3A_114 {strides = array<i32>} : memref<80x128xf32, #tpu.memory_space<vmem>>, vector<1x16xf32>,
        %get3A_115 = arith.index_cast %scan3A_75 : i32 to index
        %get3A_116 = arith.constant 48 : index
        %get3A_117 = tpu.vector_load %arg8[%get3A_115, %get3A_116] {strides = array<i32>} : memref<80x128xf32, #tpu.memory_space<vmem>>, vector<1x16xf32>,
        %get3A_118 = vector.shape_cast %get3A_117 : vector<1x16xf32> to vector<16xf32>
        %get3A_119 = arith.index_cast %scan3A_75 : i32 to index
        %get3A_120 = arith.constant 48 : index
        %get3A_121 = tpu.vector_load %arg9[%get3A_119, %get3A_120] {strides = array<i32>} : memref<80x128xf32, #tpu.memory_space<vmem>>, vector<1x16xf32>,
        %get3A_122 = vector.shape_cast %get3A_121 : vector<1x16xf32> to vector<16xf32>
        %sub3A_123 = arith.subf %get3A_118, %get3A_122 : vector<16xf32>
        %swap3A_124 = arith.index_cast %scan3A_75 : i32 to index
        %swap3A_125 = arith.constant 48 : index
        %swap3A_126 = tpu.vector_load %arg10[%swap3A_124, %swap3A_125] {strides = array<i32>} : memref<80x128xf32, #tpu.memory_space<vmem>>, vector<1x16xf32>,
        %swap3A_127 = vector.shape_cast %swap3A_126 : vector<1x16xf32> to vector<16xf32>
        %swap3A_128 = vector.shape_cast %sub3A_123 : vector<16xf32> to vector<1x16xf32>
        tpu.vector_store %arg10[%swap3A_124, %swap3A_125], %swap3A_128 {strides = array<i32>} : memref<80x128xf32, #tpu.memory_space<vmem>>, vector<1x16xf32>,
        %get3A_129 = arith.index_cast %scan3A_75 : i32 to index
        %get3A_130 = arith.constant 64 : index
        %get3A_131 = tpu.vector_load %arg8[%get3A_129, %get3A_130] {strides = array<i32>} : memref<80x128xf32, #tpu.memory_space<vmem>>, vector<1x16xf32>,
        %get3A_132 = vector.shape_cast %get3A_131 : vector<1x16xf32> to vector<16xf32>
        %get3A_133 = arith.index_cast %scan3A_75 : i32 to index
        %get3A_134 = arith.constant 64 : index
        %get3A_135 = tpu.vector_load %arg9[%get3A_133, %get3A_134] {strides = array<i32>} : memref<80x128xf32, #tpu.memory_space<vmem>>, vector<1x16xf32>,
        %get3A_136 = vector.shape_cast %get3A_135 : vector<1x16xf32> to vector<16xf32>
        %sub3A_137 = arith.subf %get3A_132, %get3A_136 : vector<16xf32>
        %swap3A_138 = arith.index_cast %scan3A_75 : i32 to index
        %swap3A_139 = arith.constant 64 : index
        %swap3A_140 = tpu.vector_load %arg10[%swap3A_138, %swap3A_139] {strides = array<i32>} : memref<80x128xf32, #tpu.memory_space<vmem>>, vector<1x16xf32>,
        %swap3A_141 = vector.shape_cast %swap3A_140 : vector<1x16xf32> to vector<16xf32>
        %swap3A_142 = vector.shape_cast %sub3A_137 : vector<16xf32> to vector<1x16xf32>
        tpu.vector_store %arg10[%swap3A_138, %swap3A_139], %swap3A_142 {strides = array<i32>} : memref<80x128xf32, #tpu.memory_space<vmem>>, vector<1x16xf32>,
        %get3A_143 = arith.index_cast %scan3A_75 : i32 to index
        %get3A_144 = arith.constant 80 : index
        %get3A_145 = tpu.vector_load %arg8[%get3A_143, %get3A_144] {strides = array<i32>} : memref<80x128xf32, #tpu.memory_space<vmem>>, vector<1x16xf32>,
        %get3A_146 = vector.shape_cast %get3A_145 : vector<1x16xf32> to vector<16xf32>
        %get3A_147 = arith.index_cast %scan3A_75 : i32 to index
        %get3A_148 = arith.constant 80 : index
        %get3A_149 = tpu.vector_load %arg9[%get3A_147, %get3A_148] {strides = array<i32>} : memref<80x128xf32, #tpu.memory_space<vmem>>, vector<1x16xf32>,
        %get3A_150 = vector.shape_cast %get3A_149 : vector<1x16xf32> to vector<16xf32>
        %sub3A_151 = arith.subf %get3A_146, %get3A_150 : vector<16xf32>
        %swap3A_152 = arith.index_cast %scan3A_75 : i32 to index
        %swap3A_153 = arith.constant 80 : index
        %swap3A_154 = tpu.vector_load %arg10[%swap3A_152, %swap3A_153] {strides = array<i32>} : memref<80x128xf32, #tpu.memory_space<vmem>>, vector<1x16xf32>,
        %swap3A_155 = vector.shape_cast %swap3A_154 : vector<1x16xf32> to vector<16xf32>
        %swap3A_156 = vector.shape_cast %sub3A_151 : vector<16xf32> to vector<1x16xf32>
        tpu.vector_store %arg10[%swap3A_152, %swap3A_153], %swap3A_156 {strides = array<i32>} : memref<80x128xf32, #tpu.memory_space<vmem>>, vector<1x16xf32>,
        %get3A_157 = arith.index_cast %scan3A_75 : i32 to index
        %get3A_158 = arith.constant 96 : index
        %get3A_159 = tpu.vector_load %arg8[%get3A_157, %get3A_158] {strides = array<i32>} : memref<80x128xf32, #tpu.memory_space<vmem>>, vector<1x16xf32>,
        %get3A_160 = vector.shape_cast %get3A_159 : vector<1x16xf32> to vector<16xf32>
        %get3A_161 = arith.index_cast %scan3A_75 : i32 to index
        %get3A_162 = arith.constant 96 : index
        %get3A_163 = tpu.vector_load %arg9[%get3A_161, %get3A_162] {strides = array<i32>} : memref<80x128xf32, #tpu.memory_space<vmem>>, vector<1x16xf32>,
        %get3A_164 = vector.shape_cast %get3A_163 : vector<1x16xf32> to vector<16xf32>
        %sub3A_165 = arith.subf %get3A_160, %get3A_164 : vector<16xf32>
        %swap3A_166 = arith.index_cast %scan3A_75 : i32 to index
        %swap3A_167 = arith.constant 96 : index
        %swap3A_168 = tpu.vector_load %arg10[%swap3A_166, %swap3A_167] {strides = array<i32>} : memref<80x128xf32, #tpu.memory_space<vmem>>, vector<1x16xf32>,
        %swap3A_169 = vector.shape_cast %swap3A_168 : vector<1x16xf32> to vector<16xf32>
        %swap3A_170 = vector.shape_cast %sub3A_165 : vector<16xf32> to vector<1x16xf32>
        tpu.vector_store %arg10[%swap3A_166, %swap3A_167], %swap3A_170 {strides = array<i32>} : memref<80x128xf32, #tpu.memory_space<vmem>>, vector<1x16xf32>,
        %get3A_171 = arith.index_cast %scan3A_75 : i32 to index
        %get3A_172 = arith.constant 112 : index
        %get3A_173 = tpu.vector_load %arg8[%get3A_171, %get3A_172] {strides = array<i32>} : memref<80x128xf32, #tpu.memory_space<vmem>>, vector<1x16xf32>,
        %get3A_174 = vector.shape_cast %get3A_173 : vector<1x16xf32> to vector<16xf32>
        %get3A_175 = arith.index_cast %scan3A_75 : i32 to index
        %get3A_176 = arith.constant 112 : index
        %get3A_177 = tpu.vector_load %arg9[%get3A_175, %get3A_176] {strides = array<i32>} : memref<80x128xf32, #tpu.memory_space<vmem>>, vector<1x16xf32>,
        %get3A_178 = vector.shape_cast %get3A_177 : vector<1x16xf32> to vector<16xf32>
        %sub3A_179 = arith.subf %get3A_174, %get3A_178 : vector<16xf32>
        %swap3A_180 = arith.index_cast %scan3A_75 : i32 to index
        %swap3A_181 = arith.constant 112 : index
        %swap3A_182 = tpu.vector_load %arg10[%swap3A_180, %swap3A_181] {strides = array<i32>} : memref<80x128xf32, #tpu.memory_space<vmem>>, vector<1x16xf32>,
        %swap3A_183 = vector.shape_cast %swap3A_182 : vector<1x16xf32> to vector<16xf32>
        %swap3A_184 = vector.shape_cast %sub3A_179 : vector<16xf32> to vector<1x16xf32>
        tpu.vector_store %arg10[%swap3A_180, %swap3A_181], %swap3A_184 {strides = array<i32>} : memref<80x128xf32, #tpu.memory_space<vmem>>, vector<1x16xf32>,
        %scan3A_185 = arith.constant 1 : i32
        %scan3A_186 = arith.addi %scan3A_75, %scan3A_185 : i32
        %get3A_187 = arith.index_cast %scan3A_186 : i32 to index
        %get3A_188 = arith.constant 0 : index
        %get3A_189 = tpu.vector_load %arg8[%get3A_187, %get3A_188] {strides = array<i32>} : memref<80x128xf32, #tpu.memory_space<vmem>>, vector<1x16xf32>,
        %get3A_190 = vector.shape_cast %get3A_189 : vector<1x16xf32> to vector<16xf32>
        %get3A_191 = arith.index_cast %scan3A_186 : i32 to index
        %get3A_192 = arith.constant 0 : index
        %get3A_193 = tpu.vector_load %arg9[%get3A_191, %get3A_192] {strides = array<i32>} : memref<80x128xf32, #tpu.memory_space<vmem>>, vector<1x16xf32>,
        %get3A_194 = vector.shape_cast %get3A_193 : vector<1x16xf32> to vector<16xf32>
        %sub3A_195 = arith.subf %get3A_190, %get3A_194 : vector<16xf32>
        %swap3A_196 = arith.index_cast %scan3A_186 : i32 to index
        %swap3A_197 = arith.constant 0 : index
        %swap3A_198 = tpu.vector_load %arg10[%swap3A_196, %swap3A_197] {strides = array<i32>} : memref<80x128xf32, #tpu.memory_space<vmem>>, vector<1x16xf32>,
        %swap3A_199 = vector.shape_cast %swap3A_198 : vector<1x16xf32> to vector<16xf32>
        %swap3A_200 = vector.shape_cast %sub3A_195 : vector<16xf32> to vector<1x16xf32>
        tpu.vector_store %arg10[%swap3A_196, %swap3A_197], %swap3A_200 {strides = array<i32>} : memref<80x128xf32, #tpu.memory_space<vmem>>, vector<1x16xf32>,
        %get3A_201 = arith.index_cast %scan3A_186 : i32 to index
        %get3A_202 = arith.constant 16 : index
        %get3A_203 = tpu.vector_load %arg8[%get3A_201, %get3A_202] {strides = array<i32>} : memref<80x128xf32, #tpu.memory_space<vmem>>, vector<1x16xf32>,
        %get3A_204 = vector.shape_cast %get3A_203 : vector<1x16xf32> to vector<16xf32>
        %get3A_205 = arith.index_cast %scan3A_186 : i32 to index
        %get3A_206 = arith.constant 16 : index
        %get3A_207 = tpu.vector_load %arg9[%get3A_205, %get3A_206] {strides = array<i32>} : memref<80x128xf32, #tpu.memory_space<vmem>>, vector<1x16xf32>,
        %get3A_208 = vector.shape_cast %get3A_207 : vector<1x16xf32> to vector<16xf32>
        %sub3A_209 = arith.subf %get3A_204, %get3A_208 : vector<16xf32>
        %swap3A_210 = arith.index_cast %scan3A_186 : i32 to index
        %swap3A_211 = arith.constant 16 : index
        %swap3A_212 = tpu.vector_load %arg10[%swap3A_210, %swap3A_211] {strides = array<i32>} : memref<80x128xf32, #tpu.memory_space<vmem>>, vector<1x16xf32>,
        %swap3A_213 = vector.shape_cast %swap3A_212 : vector<1x16xf32> to vector<16xf32>
        %swap3A_214 = vector.shape_cast %sub3A_209 : vector<16xf32> to vector<1x16xf32>
        tpu.vector_store %arg10[%swap3A_210, %swap3A_211], %swap3A_214 {strides = array<i32>} : memref<80x128xf32, #tpu.memory_space<vmem>>, vector<1x16xf32>,
        %get3A_215 = arith.index_cast %scan3A_186 : i32 to index
        %get3A_216 = arith.constant 32 : index
        %get3A_217 = tpu.vector_load %arg8[%get3A_215, %get3A_216] {strides = array<i32>} : memref<80x128xf32, #tpu.memory_space<vmem>>, vector<1x16xf32>,
        %get3A_218 = vector.shape_cast %get3A_217 : vector<1x16xf32> to vector<16xf32>
        %get3A_219 = arith.index_cast %scan3A_186 : i32 to index
        %get3A_220 = arith.constant 32 : index
        %get3A_221 = tpu.vector_load %arg9[%get3A_219, %get3A_220] {strides = array<i32>} : memref<80x128xf32, #tpu.memory_space<vmem>>, vector<1x16xf32>,
        %get3A_222 = vector.shape_cast %get3A_221 : vector<1x16xf32> to vector<16xf32>
        %sub3A_223 = arith.subf %get3A_218, %get3A_222 : vector<16xf32>
        %swap3A_224 = arith.index_cast %scan3A_186 : i32 to index
        %swap3A_225 = arith.constant 32 : index
        %swap3A_226 = tpu.vector_load %arg10[%swap3A_224, %swap3A_225] {strides = array<i32>} : memref<80x128xf32, #tpu.memory_space<vmem>>, vector<1x16xf32>,
        %swap3A_227 = vector.shape_cast %swap3A_226 : vector<1x16xf32> to vector<16xf32>
        %swap3A_228 = vector.shape_cast %sub3A_223 : vector<16xf32> to vector<1x16xf32>
        tpu.vector_store %arg10[%swap3A_224, %swap3A_225], %swap3A_228 {strides = array<i32>} : memref<80x128xf32, #tpu.memory_space<vmem>>, vector<1x16xf32>,
        %get3A_229 = arith.index_cast %scan3A_186 : i32 to index
        %get3A_230 = arith.constant 48 : index
        %get3A_231 = tpu.vector_load %arg8[%get3A_229, %get3A_230] {strides = array<i32>} : memref<80x128xf32, #tpu.memory_space<vmem>>, vector<1x16xf32>,
        %get3A_232 = vector.shape_cast %get3A_231 : vector<1x16xf32> to vector<16xf32>
        %get3A_233 = arith.index_cast %scan3A_186 : i32 to index
        %get3A_234 = arith.constant 48 : index
        %get3A_235 = tpu.vector_load %arg9[%get3A_233, %get3A_234] {strides = array<i32>} : memref<80x128xf32, #tpu.memory_space<vmem>>, vector<1x16xf32>,
        %get3A_236 = vector.shape_cast %get3A_235 : vector<1x16xf32> to vector<16xf32>
        %sub3A_237 = arith.subf %get3A_232, %get3A_236 : vector<16xf32>
        %swap3A_238 = arith.index_cast %scan3A_186 : i32 to index
        %swap3A_239 = arith.constant 48 : index
        %swap3A_240 = tpu.vector_load %arg10[%swap3A_238, %swap3A_239] {strides = array<i32>} : memref<80x128xf32, #tpu.memory_space<vmem>>, vector<1x16xf32>,
        %swap3A_241 = vector.shape_cast %swap3A_240 : vector<1x16xf32> to vector<16xf32>
        %swap3A_242 = vector.shape_cast %sub3A_237 : vector<16xf32> to vector<1x16xf32>
        tpu.vector_store %arg10[%swap3A_238, %swap3A_239], %swap3A_242 {strides = array<i32>} : memref<80x128xf32, #tpu.memory_space<vmem>>, vector<1x16xf32>,
        %get3A_243 = arith.index_cast %scan3A_186 : i32 to index
        %get3A_244 = arith.constant 64 : index
        %get3A_245 = tpu.vector_load %arg8[%get3A_243, %get3A_244] {strides = array<i32>} : memref<80x128xf32, #tpu.memory_space<vmem>>, vector<1x16xf32>,
        %get3A_246 = vector.shape_cast %get3A_245 : vector<1x16xf32> to vector<16xf32>
        %get3A_247 = arith.index_cast %scan3A_186 : i32 to index
        %get3A_248 = arith.constant 64 : index
        %get3A_249 = tpu.vector_load %arg9[%get3A_247, %get3A_248] {strides = array<i32>} : memref<80x128xf32, #tpu.memory_space<vmem>>, vector<1x16xf32>,
        %get3A_250 = vector.shape_cast %get3A_249 : vector<1x16xf32> to vector<16xf32>
        %sub3A_251 = arith.subf %get3A_246, %get3A_250 : vector<16xf32>
        %swap3A_252 = arith.index_cast %scan3A_186 : i32 to index
        %swap3A_253 = arith.constant 64 : index
        %swap3A_254 = tpu.vector_load %arg10[%swap3A_252, %swap3A_253] {strides = array<i32>} : memref<80x128xf32, #tpu.memory_space<vmem>>, vector<1x16xf32>,
        %swap3A_255 = vector.shape_cast %swap3A_254 : vector<1x16xf32> to vector<16xf32>
        %swap3A_256 = vector.shape_cast %sub3A_251 : vector<16xf32> to vector<1x16xf32>
        tpu.vector_store %arg10[%swap3A_252, %swap3A_253], %swap3A_256 {strides = array<i32>} : memref<80x128xf32, #tpu.memory_space<vmem>>, vector<1x16xf32>,
        %get3A_257 = arith.index_cast %scan3A_186 : i32 to index
        %get3A_258 = arith.constant 80 : index
        %get3A_259 = tpu.vector_load %arg8[%get3A_257, %get3A_258] {strides = array<i32>} : memref<80x128xf32, #tpu.memory_space<vmem>>, vector<1x16xf32>,
        %get3A_260 = vector.shape_cast %get3A_259 : vector<1x16xf32> to vector<16xf32>
        %get3A_261 = arith.index_cast %scan3A_186 : i32 to index
        %get3A_262 = arith.constant 80 : index
        %get3A_263 = tpu.vector_load %arg9[%get3A_261, %get3A_262] {strides = array<i32>} : memref<80x128xf32, #tpu.memory_space<vmem>>, vector<1x16xf32>,
        %get3A_264 = vector.shape_cast %get3A_263 : vector<1x16xf32> to vector<16xf32>
        %sub3A_265 = arith.subf %get3A_260, %get3A_264 : vector<16xf32>
        %swap3A_266 = arith.index_cast %scan3A_186 : i32 to index
        %swap3A_267 = arith.constant 80 : index
        %swap3A_268 = tpu.vector_load %arg10[%swap3A_266, %swap3A_267] {strides = array<i32>} : memref<80x128xf32, #tpu.memory_space<vmem>>, vector<1x16xf32>,
        %swap3A_269 = vector.shape_cast %swap3A_268 : vector<1x16xf32> to vector<16xf32>
        %swap3A_270 = vector.shape_cast %sub3A_265 : vector<16xf32> to vector<1x16xf32>
        tpu.vector_store %arg10[%swap3A_266, %swap3A_267], %swap3A_270 {strides = array<i32>} : memref<80x128xf32, #tpu.memory_space<vmem>>, vector<1x16xf32>,
        %get3A_271 = arith.index_cast %scan3A_186 : i32 to index
        %get3A_272 = arith.constant 96 : index
        %get3A_273 = tpu.vector_load %arg8[%get3A_271, %get3A_272] {strides = array<i32>} : memref<80x128xf32, #tpu.memory_space<vmem>>, vector<1x16xf32>,
        %get3A_274 = vector.shape_cast %get3A_273 : vector<1x16xf32> to vector<16xf32>
        %get3A_275 = arith.index_cast %scan3A_186 : i32 to index
        %get3A_276 = arith.constant 96 : index
        %get3A_277 = tpu.vector_load %arg9[%get3A_275, %get3A_276] {strides = array<i32>} : memref<80x128xf32, #tpu.memory_space<vmem>>, vector<1x16xf32>,
        %get3A_278 = vector.shape_cast %get3A_277 : vector<1x16xf32> to vector<16xf32>
        %sub3A_279 = arith.subf %get3A_274, %get3A_278 : vector<16xf32>
        %swap3A_280 = arith.index_cast %scan3A_186 : i32 to index
        %swap3A_281 = arith.constant 96 : index
        %swap3A_282 = tpu.vector_load %arg10[%swap3A_280, %swap3A_281] {strides = array<i32>} : memref<80x128xf32, #tpu.memory_space<vmem>>, vector<1x16xf32>,
        %swap3A_283 = vector.shape_cast %swap3A_282 : vector<1x16xf32> to vector<16xf32>
        %swap3A_284 = vector.shape_cast %sub3A_279 : vector<16xf32> to vector<1x16xf32>
        tpu.vector_store %arg10[%swap3A_280, %swap3A_281], %swap3A_284 {strides = array<i32>} : memref<80x128xf32, #tpu.memory_space<vmem>>, vector<1x16xf32>,
        %get3A_285 = arith.index_cast %scan3A_186 : i32 to index
        %get3A_286 = arith.constant 112 : index
        %get3A_287 = tpu.vector_load %arg8[%get3A_285, %get3A_286] {strides = array<i32>} : memref<80x128xf32, #tpu.memory_space<vmem>>, vector<1x16xf32>,
        %get3A_288 = vector.shape_cast %get3A_287 : vector<1x16xf32> to vector<16xf32>
        %get3A_289 = arith.index_cast %scan3A_186 : i32 to index
        %get3A_290 = arith.constant 112 : index
        %get3A_291 = tpu.vector_load %arg9[%get3A_289, %get3A_290] {strides = array<i32>} : memref<80x128xf32, #tpu.memory_space<vmem>>, vector<1x16xf32>,
        %get3A_292 = vector.shape_cast %get3A_291 : vector<1x16xf32> to vector<16xf32>
        %sub3A_293 = arith.subf %get3A_288, %get3A_292 : vector<16xf32>
        %swap3A_294 = arith.index_cast %scan3A_186 : i32 to index
        %swap3A_295 = arith.constant 112 : index
        %swap3A_296 = tpu.vector_load %arg10[%swap3A_294, %swap3A_295] {strides = array<i32>} : memref<80x128xf32, #tpu.memory_space<vmem>>, vector<1x16xf32>,
        %swap3A_297 = vector.shape_cast %swap3A_296 : vector<1x16xf32> to vector<16xf32>
        %swap3A_298 = vector.shape_cast %sub3A_293 : vector<16xf32> to vector<1x16xf32>
        tpu.vector_store %arg10[%swap3A_294, %swap3A_295], %swap3A_298 {strides = array<i32>} : memref<80x128xf32, #tpu.memory_space<vmem>>, vector<1x16xf32>,
      }
      %scan3A_53 = arith.constant 80 : i32
      %mul3A_54 = arith.constant 80 : i32
      %mul3A_55 = arith.muli %mul3A_28, %mul3A_54 : i32
      %add3A_56 = arith.addi %mul3A_2, %mul3A_55 : i32
      %dma_start3A_57 = arith.constant 0 : i32
      %dma_start3A_58 = tpu.memref_slice %arg5[%add3A_56, %dma_start3A_57] : memref<320000x128xf32, #tpu.memory_space<hbm>> -> memref<80x128xf32, #tpu.memory_space<hbm>>
      %dma_start3A_59 = arith.constant 0 : i32
      %dma_start3A_60 = tpu.memref_slice %arg5[%add3A_56, %dma_start3A_59] : memref<320000x128xf32, #tpu.memory_space<hbm>> -> memref<80x128xf32, #tpu.memory_space<hbm>>
      tpu.enqueue_dma source(%arg10 : memref<80x128xf32, #tpu.memory_space<vmem>>) target(%dma_start3A_60 : memref<80x128xf32, #tpu.memory_space<hbm>>) target_semaphore(%arg18 : memref<!tpu.dma_semaphore, #tpu.memory_space<semaphore_mem>>)
      %add3A_61 = arith.constant 2 : i32
      %add3A_62 = arith.addi %mul3A_28, %add3A_61 : i32
      %lt3A_63 = arith.constant 125 : i32
      %lt3A_64 = arith.cmpi slt, %add3A_62, %lt3A_63 : i32
      %convert_element_type3A_65 = arith.extui %lt3A_64 : i1 to i32
      %cond3A_66 = arith.constant 0 : i32
      %cond3A_67 = arith.cmpi ne, %convert_element_type3A_65, %cond3A_66 : i32
      scf.if %cond3A_67 {
        %add3A_75 = arith.constant 2 : i32
        %add3A_76 = arith.addi %mul3A_28, %add3A_75 : i32
        %mul3A_77 = arith.constant 80 : i32
        %mul3A_78 = arith.muli %add3A_76, %mul3A_77 : i32
        %multiple_of3A_79 = tpu.assume_multiple %mul3A_78, 8 : i32
        %dma_start3A_80 = tpu.memref_slice %arg6[%multiple_of3A_79] : memref<10000xi32, #tpu.memory_space<vmem>> -> memref<80xi32, #tpu.memory_space<vmem>>
        %dma_start3A_81 = arith.constant 0 : i32
        %dma_start3A_82 = arith.constant 0 : i32
        %dma_start3A_83 = tpu.memref_slice %arg2[%dma_start3A_81, %dma_start3A_82] : memref<10000x128xf32, #tpu.memory_space<hbm>> -> memref<10000x128xf32, #tpu.memory_space<hbm>>
        tpu.enqueue_indirect_dma source(%dma_start3A_83 : memref<10000x128xf32, #tpu.memory_space<hbm>>) target(%arg8 : memref<80x128xf32, #tpu.memory_space<vmem>>) offsets(%dma_start3A_80 : memref<80xi32, #tpu.memory_space<vmem>>) semaphore(%arg14 : memref<!tpu.dma_semaphore, #tpu.memory_space<semaphore_mem>>)
        %dma_start3A_84 = tpu.memref_slice %arg7[%multiple_of3A_79] : memref<10000xi32, #tpu.memory_space<vmem>> -> memref<80xi32, #tpu.memory_space<vmem>>
        %dma_start3A_85 = arith.constant 0 : i32
        %dma_start3A_86 = arith.constant 0 : i32
        %dma_start3A_87 = tpu.memref_slice %arg2[%dma_start3A_85, %dma_start3A_86] : memref<10000x128xf32, #tpu.memory_space<hbm>> -> memref<10000x128xf32, #tpu.memory_space<hbm>>
        tpu.enqueue_indirect_dma source(%dma_start3A_87 : memref<10000x128xf32, #tpu.memory_space<hbm>>) target(%arg9 : memref<80x128xf32, #tpu.memory_space<vmem>>) offsets(%dma_start3A_84 : memref<80xi32, #tpu.memory_space<vmem>>) semaphore(%arg15 : memref<!tpu.dma_semaphore, #tpu.memory_space<semaphore_mem>>)
      } else {
      }
      %add3A_68 = arith.constant 1 : i32
      %add3A_69 = arith.addi %mul3A_28, %add3A_68 : i32
      %lt3A_70 = arith.constant 125 : i32
      %lt3A_71 = arith.cmpi slt, %add3A_69, %lt3A_70 : i32
      %convert_element_type3A_72 = arith.extui %lt3A_71 : i1 to i32
      %cond3A_73 = arith.constant 0 : i32
      %cond3A_74 = arith.cmpi ne, %convert_element_type3A_72, %cond3A_73 : i32
      scf.if %cond3A_74 {
        %ge3A_75 = arith.constant 2 : i32
        %ge3A_76 = arith.cmpi sge, %mul3A_28, %ge3A_75 : i32
        %convert_element_type3A_77 = arith.extui %ge3A_76 : i1 to i32
        %cond3A_78 = arith.constant 0 : i32
        %cond3A_79 = arith.cmpi ne, %convert_element_type3A_77, %cond3A_78 : i32
        scf.if %cond3A_79 {
          %dma_wait3A_106 = arith.constant 0 : i32
          %dma_wait3A_107 = arith.constant 0 : i32
          %dma_wait3A_108 = tpu.memref_slice %arg2[%dma_wait3A_106, %dma_wait3A_107] : memref<10000x128xf32, #tpu.memory_space<hbm>> -> memref<80x128xf32, #tpu.memory_space<hbm>>
          %dma_wait3A_109 = arith.constant 0 : i32
          %dma_wait3A_110 = arith.constant 0 : i32
          %dma_wait3A_111 = tpu.memref_slice %arg2[%dma_wait3A_109, %dma_wait3A_110] : memref<10000x128xf32, #tpu.memory_space<hbm>> -> memref<80x128xf32, #tpu.memory_space<hbm>>
          tpu.wait_dma2 semaphore(%arg19 : memref<!tpu.dma_semaphore, #tpu.memory_space<semaphore_mem>>) src(%dma_wait3A_111 : memref<80x128xf32, #tpu.memory_space<hbm>>) dst(%arg13 : memref<80x128xf32, #tpu.memory_space<vmem>>)
        } else {
        }
        %dma_wait3A_80 = arith.constant 0 : i32
        %dma_wait3A_81 = arith.constant 0 : i32
        %dma_wait3A_82 = tpu.memref_slice %arg2[%dma_wait3A_80, %dma_wait3A_81] : memref<10000x128xf32, #tpu.memory_space<hbm>> -> memref<80x128xf32, #tpu.memory_space<hbm>>
        %dma_wait3A_83 = arith.constant 0 : i32
        %dma_wait3A_84 = arith.constant 0 : i32
        %dma_wait3A_85 = tpu.memref_slice %arg2[%dma_wait3A_83, %dma_wait3A_84] : memref<10000x128xf32, #tpu.memory_space<hbm>> -> memref<80x128xf32, #tpu.memory_space<hbm>>
        tpu.wait_dma2 semaphore(%arg16 : memref<!tpu.dma_semaphore, #tpu.memory_space<semaphore_mem>>) src(%dma_wait3A_85 : memref<80x128xf32, #tpu.memory_space<hbm>>) dst(%arg11 : memref<80x128xf32, #tpu.memory_space<vmem>>)
        %dma_wait3A_86 = arith.constant 0 : i32
        %dma_wait3A_87 = arith.constant 0 : i32
        %dma_wait3A_88 = tpu.memref_slice %arg2[%dma_wait3A_86, %dma_wait3A_87] : memref<10000x128xf32, #tpu.memory_space<hbm>> -> memref<80x128xf32, #tpu.memory_space<hbm>>
        %dma_wait3A_89 = arith.constant 0 : i32
        %dma_wait3A_90 = arith.constant 0 : i32
        %dma_wait3A_91 = tpu.memref_slice %arg2[%dma_wait3A_89, %dma_wait3A_90] : memref<10000x128xf32, #tpu.memory_space<hbm>> -> memref<80x128xf32, #tpu.memory_space<hbm>>
        tpu.wait_dma2 semaphore(%arg17 : memref<!tpu.dma_semaphore, #tpu.memory_space<semaphore_mem>>) src(%dma_wait3A_91 : memref<80x128xf32, #tpu.memory_space<hbm>>) dst(%arg12 : memref<80x128xf32, #tpu.memory_space<vmem>>)
        %scan3A_92 = arith.constant 0 : i32
        %scan3A_93 = arith.constant 80 : i32
        %scan3A_94 = arith.addi %scan3A_92, %scan3A_93 : i32
        %scan3A_95 = arith.constant 2 : i32
        scf.for %scan3A_106 = %scan3A_92 to %scan3A_94 step %scan3A_95  : i32 {
          %get3A = arith.index_cast %scan3A_106 : i32 to index
          %get3A_107 = arith.constant 0 : index
          %get3A_108 = tpu.vector_load %arg11[%get3A, %get3A_107] {strides = array<i32>} : memref<80x128xf32, #tpu.memory_space<vmem>>, vector<1x16xf32>,
          %get3A_109 = vector.shape_cast %get3A_108 : vector<1x16xf32> to vector<16xf32>
          %get3A_110 = arith.index_cast %scan3A_106 : i32 to index
          %get3A_111 = arith.constant 0 : index
          %get3A_112 = tpu.vector_load %arg12[%get3A_110, %get3A_111] {strides = array<i32>} : memref<80x128xf32, #tpu.memory_space<vmem>>, vector<1x16xf32>,
          %get3A_113 = vector.shape_cast %get3A_112 : vector<1x16xf32> to vector<16xf32>
          %sub3A = arith.subf %get3A_109, %get3A_113 : vector<16xf32>
          %swap3A = arith.index_cast %scan3A_106 : i32 to index
          %swap3A_114 = arith.constant 0 : index
          %swap3A_115 = tpu.vector_load %arg13[%swap3A, %swap3A_114] {strides = array<i32>} : memref<80x128xf32, #tpu.memory_space<vmem>>, vector<1x16xf32>,
          %swap3A_116 = vector.shape_cast %swap3A_115 : vector<1x16xf32> to vector<16xf32>
          %swap3A_117 = vector.shape_cast %sub3A : vector<16xf32> to vector<1x16xf32>
          tpu.vector_store %arg13[%swap3A, %swap3A_114], %swap3A_117 {strides = array<i32>} : memref<80x128xf32, #tpu.memory_space<vmem>>, vector<1x16xf32>,
          %get3A_118 = arith.index_cast %scan3A_106 : i32 to index
          %get3A_119 = arith.constant 16 : index
          %get3A_120 = tpu.vector_load %arg11[%get3A_118, %get3A_119] {strides = array<i32>} : memref<80x128xf32, #tpu.memory_space<vmem>>, vector<1x16xf32>,
          %get3A_121 = vector.shape_cast %get3A_120 : vector<1x16xf32> to vector<16xf32>
          %get3A_122 = arith.index_cast %scan3A_106 : i32 to index
          %get3A_123 = arith.constant 16 : index
          %get3A_124 = tpu.vector_load %arg12[%get3A_122, %get3A_123] {strides = array<i32>} : memref<80x128xf32, #tpu.memory_space<vmem>>, vector<1x16xf32>,
          %get3A_125 = vector.shape_cast %get3A_124 : vector<1x16xf32> to vector<16xf32>
          %sub3A_126 = arith.subf %get3A_121, %get3A_125 : vector<16xf32>
          %swap3A_127 = arith.index_cast %scan3A_106 : i32 to index
          %swap3A_128 = arith.constant 16 : index
          %swap3A_129 = tpu.vector_load %arg13[%swap3A_127, %swap3A_128] {strides = array<i32>} : memref<80x128xf32, #tpu.memory_space<vmem>>, vector<1x16xf32>,
          %swap3A_130 = vector.shape_cast %swap3A_129 : vector<1x16xf32> to vector<16xf32>
          %swap3A_131 = vector.shape_cast %sub3A_126 : vector<16xf32> to vector<1x16xf32>
          tpu.vector_store %arg13[%swap3A_127, %swap3A_128], %swap3A_131 {strides = array<i32>} : memref<80x128xf32, #tpu.memory_space<vmem>>, vector<1x16xf32>,
          %get3A_132 = arith.index_cast %scan3A_106 : i32 to index
          %get3A_133 = arith.constant 32 : index
          %get3A_134 = tpu.vector_load %arg11[%get3A_132, %get3A_133] {strides = array<i32>} : memref<80x128xf32, #tpu.memory_space<vmem>>, vector<1x16xf32>,
          %get3A_135 = vector.shape_cast %get3A_134 : vector<1x16xf32> to vector<16xf32>
          %get3A_136 = arith.index_cast %scan3A_106 : i32 to index
          %get3A_137 = arith.constant 32 : index
          %get3A_138 = tpu.vector_load %arg12[%get3A_136, %get3A_137] {strides = array<i32>} : memref<80x128xf32, #tpu.memory_space<vmem>>, vector<1x16xf32>,
          %get3A_139 = vector.shape_cast %get3A_138 : vector<1x16xf32> to vector<16xf32>
          %sub3A_140 = arith.subf %get3A_135, %get3A_139 : vector<16xf32>
          %swap3A_141 = arith.index_cast %scan3A_106 : i32 to index
          %swap3A_142 = arith.constant 32 : index
          %swap3A_143 = tpu.vector_load %arg13[%swap3A_141, %swap3A_142] {strides = array<i32>} : memref<80x128xf32, #tpu.memory_space<vmem>>, vector<1x16xf32>,
          %swap3A_144 = vector.shape_cast %swap3A_143 : vector<1x16xf32> to vector<16xf32>
          %swap3A_145 = vector.shape_cast %sub3A_140 : vector<16xf32> to vector<1x16xf32>
          tpu.vector_store %arg13[%swap3A_141, %swap3A_142], %swap3A_145 {strides = array<i32>} : memref<80x128xf32, #tpu.memory_space<vmem>>, vector<1x16xf32>,
          %get3A_146 = arith.index_cast %scan3A_106 : i32 to index
          %get3A_147 = arith.constant 48 : index
          %get3A_148 = tpu.vector_load %arg11[%get3A_146, %get3A_147] {strides = array<i32>} : memref<80x128xf32, #tpu.memory_space<vmem>>, vector<1x16xf32>,
          %get3A_149 = vector.shape_cast %get3A_148 : vector<1x16xf32> to vector<16xf32>
          %get3A_150 = arith.index_cast %scan3A_106 : i32 to index
          %get3A_151 = arith.constant 48 : index
          %get3A_152 = tpu.vector_load %arg12[%get3A_150, %get3A_151] {strides = array<i32>} : memref<80x128xf32, #tpu.memory_space<vmem>>, vector<1x16xf32>,
          %get3A_153 = vector.shape_cast %get3A_152 : vector<1x16xf32> to vector<16xf32>
          %sub3A_154 = arith.subf %get3A_149, %get3A_153 : vector<16xf32>
          %swap3A_155 = arith.index_cast %scan3A_106 : i32 to index
          %swap3A_156 = arith.constant 48 : index
          %swap3A_157 = tpu.vector_load %arg13[%swap3A_155, %swap3A_156] {strides = array<i32>} : memref<80x128xf32, #tpu.memory_space<vmem>>, vector<1x16xf32>,
          %swap3A_158 = vector.shape_cast %swap3A_157 : vector<1x16xf32> to vector<16xf32>
          %swap3A_159 = vector.shape_cast %sub3A_154 : vector<16xf32> to vector<1x16xf32>
          tpu.vector_store %arg13[%swap3A_155, %swap3A_156], %swap3A_159 {strides = array<i32>} : memref<80x128xf32, #tpu.memory_space<vmem>>, vector<1x16xf32>,
          %get3A_160 = arith.index_cast %scan3A_106 : i32 to index
          %get3A_161 = arith.constant 64 : index
          %get3A_162 = tpu.vector_load %arg11[%get3A_160, %get3A_161] {strides = array<i32>} : memref<80x128xf32, #tpu.memory_space<vmem>>, vector<1x16xf32>,
          %get3A_163 = vector.shape_cast %get3A_162 : vector<1x16xf32> to vector<16xf32>
          %get3A_164 = arith.index_cast %scan3A_106 : i32 to index
          %get3A_165 = arith.constant 64 : index
          %get3A_166 = tpu.vector_load %arg12[%get3A_164, %get3A_165] {strides = array<i32>} : memref<80x128xf32, #tpu.memory_space<vmem>>, vector<1x16xf32>,
          %get3A_167 = vector.shape_cast %get3A_166 : vector<1x16xf32> to vector<16xf32>
          %sub3A_168 = arith.subf %get3A_163, %get3A_167 : vector<16xf32>
          %swap3A_169 = arith.index_cast %scan3A_106 : i32 to index
          %swap3A_170 = arith.constant 64 : index
          %swap3A_171 = tpu.vector_load %arg13[%swap3A_169, %swap3A_170] {strides = array<i32>} : memref<80x128xf32, #tpu.memory_space<vmem>>, vector<1x16xf32>,
          %swap3A_172 = vector.shape_cast %swap3A_171 : vector<1x16xf32> to vector<16xf32>
          %swap3A_173 = vector.shape_cast %sub3A_168 : vector<16xf32> to vector<1x16xf32>
          tpu.vector_store %arg13[%swap3A_169, %swap3A_170], %swap3A_173 {strides = array<i32>} : memref<80x128xf32, #tpu.memory_space<vmem>>, vector<1x16xf32>,
          %get3A_174 = arith.index_cast %scan3A_106 : i32 to index
          %get3A_175 = arith.constant 80 : index
          %get3A_176 = tpu.vector_load %arg11[%get3A_174, %get3A_175] {strides = array<i32>} : memref<80x128xf32, #tpu.memory_space<vmem>>, vector<1x16xf32>,
          %get3A_177 = vector.shape_cast %get3A_176 : vector<1x16xf32> to vector<16xf32>
          %get3A_178 = arith.index_cast %scan3A_106 : i32 to index
          %get3A_179 = arith.constant 80 : index
          %get3A_180 = tpu.vector_load %arg12[%get3A_178, %get3A_179] {strides = array<i32>} : memref<80x128xf32, #tpu.memory_space<vmem>>, vector<1x16xf32>,
          %get3A_181 = vector.shape_cast %get3A_180 : vector<1x16xf32> to vector<16xf32>
          %sub3A_182 = arith.subf %get3A_177, %get3A_181 : vector<16xf32>
          %swap3A_183 = arith.index_cast %scan3A_106 : i32 to index
          %swap3A_184 = arith.constant 80 : index
          %swap3A_185 = tpu.vector_load %arg13[%swap3A_183, %swap3A_184] {strides = array<i32>} : memref<80x128xf32, #tpu.memory_space<vmem>>, vector<1x16xf32>,
          %swap3A_186 = vector.shape_cast %swap3A_185 : vector<1x16xf32> to vector<16xf32>
          %swap3A_187 = vector.shape_cast %sub3A_182 : vector<16xf32> to vector<1x16xf32>
          tpu.vector_store %arg13[%swap3A_183, %swap3A_184], %swap3A_187 {strides = array<i32>} : memref<80x128xf32, #tpu.memory_space<vmem>>, vector<1x16xf32>,
          %get3A_188 = arith.index_cast %scan3A_106 : i32 to index
          %get3A_189 = arith.constant 96 : index
          %get3A_190 = tpu.vector_load %arg11[%get3A_188, %get3A_189] {strides = array<i32>} : memref<80x128xf32, #tpu.memory_space<vmem>>, vector<1x16xf32>,
          %get3A_191 = vector.shape_cast %get3A_190 : vector<1x16xf32> to vector<16xf32>
          %get3A_192 = arith.index_cast %scan3A_106 : i32 to index
          %get3A_193 = arith.constant 96 : index
          %get3A_194 = tpu.vector_load %arg12[%get3A_192, %get3A_193] {strides = array<i32>} : memref<80x128xf32, #tpu.memory_space<vmem>>, vector<1x16xf32>,
          %get3A_195 = vector.shape_cast %get3A_194 : vector<1x16xf32> to vector<16xf32>
          %sub3A_196 = arith.subf %get3A_191, %get3A_195 : vector<16xf32>
          %swap3A_197 = arith.index_cast %scan3A_106 : i32 to index
          %swap3A_198 = arith.constant 96 : index
          %swap3A_199 = tpu.vector_load %arg13[%swap3A_197, %swap3A_198] {strides = array<i32>} : memref<80x128xf32, #tpu.memory_space<vmem>>, vector<1x16xf32>,
          %swap3A_200 = vector.shape_cast %swap3A_199 : vector<1x16xf32> to vector<16xf32>
          %swap3A_201 = vector.shape_cast %sub3A_196 : vector<16xf32> to vector<1x16xf32>
          tpu.vector_store %arg13[%swap3A_197, %swap3A_198], %swap3A_201 {strides = array<i32>} : memref<80x128xf32, #tpu.memory_space<vmem>>, vector<1x16xf32>,
          %get3A_202 = arith.index_cast %scan3A_106 : i32 to index
          %get3A_203 = arith.constant 112 : index
          %get3A_204 = tpu.vector_load %arg11[%get3A_202, %get3A_203] {strides = array<i32>} : memref<80x128xf32, #tpu.memory_space<vmem>>, vector<1x16xf32>,
          %get3A_205 = vector.shape_cast %get3A_204 : vector<1x16xf32> to vector<16xf32>
          %get3A_206 = arith.index_cast %scan3A_106 : i32 to index
          %get3A_207 = arith.constant 112 : index
          %get3A_208 = tpu.vector_load %arg12[%get3A_206, %get3A_207] {strides = array<i32>} : memref<80x128xf32, #tpu.memory_space<vmem>>, vector<1x16xf32>,
          %get3A_209 = vector.shape_cast %get3A_208 : vector<1x16xf32> to vector<16xf32>
          %sub3A_210 = arith.subf %get3A_205, %get3A_209 : vector<16xf32>
          %swap3A_211 = arith.index_cast %scan3A_106 : i32 to index
          %swap3A_212 = arith.constant 112 : index
          %swap3A_213 = tpu.vector_load %arg13[%swap3A_211, %swap3A_212] {strides = array<i32>} : memref<80x128xf32, #tpu.memory_space<vmem>>, vector<1x16xf32>,
          %swap3A_214 = vector.shape_cast %swap3A_213 : vector<1x16xf32> to vector<16xf32>
          %swap3A_215 = vector.shape_cast %sub3A_210 : vector<16xf32> to vector<1x16xf32>
          tpu.vector_store %arg13[%swap3A_211, %swap3A_212], %swap3A_215 {strides = array<i32>} : memref<80x128xf32, #tpu.memory_space<vmem>>, vector<1x16xf32>,
          %scan3A_216 = arith.constant 1 : i32
          %scan3A_217 = arith.addi %scan3A_106, %scan3A_216 : i32
          %get3A_218 = arith.index_cast %scan3A_217 : i32 to index
          %get3A_219 = arith.constant 0 : index
          %get3A_220 = tpu.vector_load %arg11[%get3A_218, %get3A_219] {strides = array<i32>} : memref<80x128xf32, #tpu.memory_space<vmem>>, vector<1x16xf32>,
          %get3A_221 = vector.shape_cast %get3A_220 : vector<1x16xf32> to vector<16xf32>
          %get3A_222 = arith.index_cast %scan3A_217 : i32 to index
          %get3A_223 = arith.constant 0 : index
          %get3A_224 = tpu.vector_load %arg12[%get3A_222, %get3A_223] {strides = array<i32>} : memref<80x128xf32, #tpu.memory_space<vmem>>, vector<1x16xf32>,
          %get3A_225 = vector.shape_cast %get3A_224 : vector<1x16xf32> to vector<16xf32>
          %sub3A_226 = arith.subf %get3A_221, %get3A_225 : vector<16xf32>
          %swap3A_227 = arith.index_cast %scan3A_217 : i32 to index
          %swap3A_228 = arith.constant 0 : index
          %swap3A_229 = tpu.vector_load %arg13[%swap3A_227, %swap3A_228] {strides = array<i32>} : memref<80x128xf32, #tpu.memory_space<vmem>>, vector<1x16xf32>,
          %swap3A_230 = vector.shape_cast %swap3A_229 : vector<1x16xf32> to vector<16xf32>
          %swap3A_231 = vector.shape_cast %sub3A_226 : vector<16xf32> to vector<1x16xf32>
          tpu.vector_store %arg13[%swap3A_227, %swap3A_228], %swap3A_231 {strides = array<i32>} : memref<80x128xf32, #tpu.memory_space<vmem>>, vector<1x16xf32>,
          %get3A_232 = arith.index_cast %scan3A_217 : i32 to index
          %get3A_233 = arith.constant 16 : index
          %get3A_234 = tpu.vector_load %arg11[%get3A_232, %get3A_233] {strides = array<i32>} : memref<80x128xf32, #tpu.memory_space<vmem>>, vector<1x16xf32>,
          %get3A_235 = vector.shape_cast %get3A_234 : vector<1x16xf32> to vector<16xf32>
          %get3A_236 = arith.index_cast %scan3A_217 : i32 to index
          %get3A_237 = arith.constant 16 : index
          %get3A_238 = tpu.vector_load %arg12[%get3A_236, %get3A_237] {strides = array<i32>} : memref<80x128xf32, #tpu.memory_space<vmem>>, vector<1x16xf32>,
          %get3A_239 = vector.shape_cast %get3A_238 : vector<1x16xf32> to vector<16xf32>
          %sub3A_240 = arith.subf %get3A_235, %get3A_239 : vector<16xf32>
          %swap3A_241 = arith.index_cast %scan3A_217 : i32 to index
          %swap3A_242 = arith.constant 16 : index
          %swap3A_243 = tpu.vector_load %arg13[%swap3A_241, %swap3A_242] {strides = array<i32>} : memref<80x128xf32, #tpu.memory_space<vmem>>, vector<1x16xf32>,
          %swap3A_244 = vector.shape_cast %swap3A_243 : vector<1x16xf32> to vector<16xf32>
          %swap3A_245 = vector.shape_cast %sub3A_240 : vector<16xf32> to vector<1x16xf32>
          tpu.vector_store %arg13[%swap3A_241, %swap3A_242], %swap3A_245 {strides = array<i32>} : memref<80x128xf32, #tpu.memory_space<vmem>>, vector<1x16xf32>,
          %get3A_246 = arith.index_cast %scan3A_217 : i32 to index
          %get3A_247 = arith.constant 32 : index
          %get3A_248 = tpu.vector_load %arg11[%get3A_246, %get3A_247] {strides = array<i32>} : memref<80x128xf32, #tpu.memory_space<vmem>>, vector<1x16xf32>,
          %get3A_249 = vector.shape_cast %get3A_248 : vector<1x16xf32> to vector<16xf32>
          %get3A_250 = arith.index_cast %scan3A_217 : i32 to index
          %get3A_251 = arith.constant 32 : index
          %get3A_252 = tpu.vector_load %arg12[%get3A_250, %get3A_251] {strides = array<i32>} : memref<80x128xf32, #tpu.memory_space<vmem>>, vector<1x16xf32>,
          %get3A_253 = vector.shape_cast %get3A_252 : vector<1x16xf32> to vector<16xf32>
          %sub3A_254 = arith.subf %get3A_249, %get3A_253 : vector<16xf32>
          %swap3A_255 = arith.index_cast %scan3A_217 : i32 to index
          %swap3A_256 = arith.constant 32 : index
          %swap3A_257 = tpu.vector_load %arg13[%swap3A_255, %swap3A_256] {strides = array<i32>} : memref<80x128xf32, #tpu.memory_space<vmem>>, vector<1x16xf32>,
          %swap3A_258 = vector.shape_cast %swap3A_257 : vector<1x16xf32> to vector<16xf32>
          %swap3A_259 = vector.shape_cast %sub3A_254 : vector<16xf32> to vector<1x16xf32>
          tpu.vector_store %arg13[%swap3A_255, %swap3A_256], %swap3A_259 {strides = array<i32>} : memref<80x128xf32, #tpu.memory_space<vmem>>, vector<1x16xf32>,
          %get3A_260 = arith.index_cast %scan3A_217 : i32 to index
          %get3A_261 = arith.constant 48 : index
          %get3A_262 = tpu.vector_load %arg11[%get3A_260, %get3A_261] {strides = array<i32>} : memref<80x128xf32, #tpu.memory_space<vmem>>, vector<1x16xf32>,
          %get3A_263 = vector.shape_cast %get3A_262 : vector<1x16xf32> to vector<16xf32>
          %get3A_264 = arith.index_cast %scan3A_217 : i32 to index
          %get3A_265 = arith.constant 48 : index
          %get3A_266 = tpu.vector_load %arg12[%get3A_264, %get3A_265] {strides = array<i32>} : memref<80x128xf32, #tpu.memory_space<vmem>>, vector<1x16xf32>,
          %get3A_267 = vector.shape_cast %get3A_266 : vector<1x16xf32> to vector<16xf32>
          %sub3A_268 = arith.subf %get3A_263, %get3A_267 : vector<16xf32>
          %swap3A_269 = arith.index_cast %scan3A_217 : i32 to index
          %swap3A_270 = arith.constant 48 : index
          %swap3A_271 = tpu.vector_load %arg13[%swap3A_269, %swap3A_270] {strides = array<i32>} : memref<80x128xf32, #tpu.memory_space<vmem>>, vector<1x16xf32>,
          %swap3A_272 = vector.shape_cast %swap3A_271 : vector<1x16xf32> to vector<16xf32>
          %swap3A_273 = vector.shape_cast %sub3A_268 : vector<16xf32> to vector<1x16xf32>
          tpu.vector_store %arg13[%swap3A_269, %swap3A_270], %swap3A_273 {strides = array<i32>} : memref<80x128xf32, #tpu.memory_space<vmem>>, vector<1x16xf32>,
          %get3A_274 = arith.index_cast %scan3A_217 : i32 to index
          %get3A_275 = arith.constant 64 : index
          %get3A_276 = tpu.vector_load %arg11[%get3A_274, %get3A_275] {strides = array<i32>} : memref<80x128xf32, #tpu.memory_space<vmem>>, vector<1x16xf32>,
          %get3A_277 = vector.shape_cast %get3A_276 : vector<1x16xf32> to vector<16xf32>
          %get3A_278 = arith.index_cast %scan3A_217 : i32 to index
          %get3A_279 = arith.constant 64 : index
          %get3A_280 = tpu.vector_load %arg12[%get3A_278, %get3A_279] {strides = array<i32>} : memref<80x128xf32, #tpu.memory_space<vmem>>, vector<1x16xf32>,
          %get3A_281 = vector.shape_cast %get3A_280 : vector<1x16xf32> to vector<16xf32>
          %sub3A_282 = arith.subf %get3A_277, %get3A_281 : vector<16xf32>
          %swap3A_283 = arith.index_cast %scan3A_217 : i32 to index
          %swap3A_284 = arith.constant 64 : index
          %swap3A_285 = tpu.vector_load %arg13[%swap3A_283, %swap3A_284] {strides = array<i32>} : memref<80x128xf32, #tpu.memory_space<vmem>>, vector<1x16xf32>,
          %swap3A_286 = vector.shape_cast %swap3A_285 : vector<1x16xf32> to vector<16xf32>
          %swap3A_287 = vector.shape_cast %sub3A_282 : vector<16xf32> to vector<1x16xf32>
          tpu.vector_store %arg13[%swap3A_283, %swap3A_284], %swap3A_287 {strides = array<i32>} : memref<80x128xf32, #tpu.memory_space<vmem>>, vector<1x16xf32>,
          %get3A_288 = arith.index_cast %scan3A_217 : i32 to index
          %get3A_289 = arith.constant 80 : index
          %get3A_290 = tpu.vector_load %arg11[%get3A_288, %get3A_289] {strides = array<i32>} : memref<80x128xf32, #tpu.memory_space<vmem>>, vector<1x16xf32>,
          %get3A_291 = vector.shape_cast %get3A_290 : vector<1x16xf32> to vector<16xf32>
          %get3A_292 = arith.index_cast %scan3A_217 : i32 to index
          %get3A_293 = arith.constant 80 : index
          %get3A_294 = tpu.vector_load %arg12[%get3A_292, %get3A_293] {strides = array<i32>} : memref<80x128xf32, #tpu.memory_space<vmem>>, vector<1x16xf32>,
          %get3A_295 = vector.shape_cast %get3A_294 : vector<1x16xf32> to vector<16xf32>
          %sub3A_296 = arith.subf %get3A_291, %get3A_295 : vector<16xf32>
          %swap3A_297 = arith.index_cast %scan3A_217 : i32 to index
          %swap3A_298 = arith.constant 80 : index
          %swap3A_299 = tpu.vector_load %arg13[%swap3A_297, %swap3A_298] {strides = array<i32>} : memref<80x128xf32, #tpu.memory_space<vmem>>, vector<1x16xf32>,
          %swap3A_300 = vector.shape_cast %swap3A_299 : vector<1x16xf32> to vector<16xf32>
          %swap3A_301 = vector.shape_cast %sub3A_296 : vector<16xf32> to vector<1x16xf32>
          tpu.vector_store %arg13[%swap3A_297, %swap3A_298], %swap3A_301 {strides = array<i32>} : memref<80x128xf32, #tpu.memory_space<vmem>>, vector<1x16xf32>,
          %get3A_302 = arith.index_cast %scan3A_217 : i32 to index
          %get3A_303 = arith.constant 96 : index
          %get3A_304 = tpu.vector_load %arg11[%get3A_302, %get3A_303] {strides = array<i32>} : memref<80x128xf32, #tpu.memory_space<vmem>>, vector<1x16xf32>,
          %get3A_305 = vector.shape_cast %get3A_304 : vector<1x16xf32> to vector<16xf32>
          %get3A_306 = arith.index_cast %scan3A_217 : i32 to index
          %get3A_307 = arith.constant 96 : index
          %get3A_308 = tpu.vector_load %arg12[%get3A_306, %get3A_307] {strides = array<i32>} : memref<80x128xf32, #tpu.memory_space<vmem>>, vector<1x16xf32>,
          %get3A_309 = vector.shape_cast %get3A_308 : vector<1x16xf32> to vector<16xf32>
          %sub3A_310 = arith.subf %get3A_305, %get3A_309 : vector<16xf32>
          %swap3A_311 = arith.index_cast %scan3A_217 : i32 to index
          %swap3A_312 = arith.constant 96 : index
          %swap3A_313 = tpu.vector_load %arg13[%swap3A_311, %swap3A_312] {strides = array<i32>} : memref<80x128xf32, #tpu.memory_space<vmem>>, vector<1x16xf32>,
          %swap3A_314 = vector.shape_cast %swap3A_313 : vector<1x16xf32> to vector<16xf32>
          %swap3A_315 = vector.shape_cast %sub3A_310 : vector<16xf32> to vector<1x16xf32>
          tpu.vector_store %arg13[%swap3A_311, %swap3A_312], %swap3A_315 {strides = array<i32>} : memref<80x128xf32, #tpu.memory_space<vmem>>, vector<1x16xf32>,
          %get3A_316 = arith.index_cast %scan3A_217 : i32 to index
          %get3A_317 = arith.constant 112 : index
          %get3A_318 = tpu.vector_load %arg11[%get3A_316, %get3A_317] {strides = array<i32>} : memref<80x128xf32, #tpu.memory_space<vmem>>, vector<1x16xf32>,
          %get3A_319 = vector.shape_cast %get3A_318 : vector<1x16xf32> to vector<16xf32>
          %get3A_320 = arith.index_cast %scan3A_217 : i32 to index
          %get3A_321 = arith.constant 112 : index
          %get3A_322 = tpu.vector_load %arg12[%get3A_320, %get3A_321] {strides = array<i32>} : memref<80x128xf32, #tpu.memory_space<vmem>>, vector<1x16xf32>,
          %get3A_323 = vector.shape_cast %get3A_322 : vector<1x16xf32> to vector<16xf32>
          %sub3A_324 = arith.subf %get3A_319, %get3A_323 : vector<16xf32>
          %swap3A_325 = arith.index_cast %scan3A_217 : i32 to index
          %swap3A_326 = arith.constant 112 : index
          %swap3A_327 = tpu.vector_load %arg13[%swap3A_325, %swap3A_326] {strides = array<i32>} : memref<80x128xf32, #tpu.memory_space<vmem>>, vector<1x16xf32>,
          %swap3A_328 = vector.shape_cast %swap3A_327 : vector<1x16xf32> to vector<16xf32>
          %swap3A_329 = vector.shape_cast %sub3A_324 : vector<16xf32> to vector<1x16xf32>
          tpu.vector_store %arg13[%swap3A_325, %swap3A_326], %swap3A_329 {strides = array<i32>} : memref<80x128xf32, #tpu.memory_space<vmem>>, vector<1x16xf32>,
        }
        %scan3A_96 = arith.constant 80 : i32
        %add3A_97 = arith.constant 1 : i32
        %add3A_98 = arith.addi %mul3A_28, %add3A_97 : i32
        %mul3A_99 = arith.constant 80 : i32
        %mul3A_100 = arith.muli %add3A_98, %mul3A_99 : i32
        %add3A_101 = arith.addi %mul3A_2, %mul3A_100 : i32
        %dma_start3A_102 = arith.constant 0 : i32
        %dma_start3A_103 = tpu.memref_slice %arg5[%add3A_101, %dma_start3A_102] : memref<320000x128xf32, #tpu.memory_space<hbm>> -> memref<80x128xf32, #tpu.memory_space<hbm>>
        %dma_start3A_104 = arith.constant 0 : i32
        %dma_start3A_105 = tpu.memref_slice %arg5[%add3A_101, %dma_start3A_104] : memref<320000x128xf32, #tpu.memory_space<hbm>> -> memref<80x128xf32, #tpu.memory_space<hbm>>
        tpu.enqueue_dma source(%arg13 : memref<80x128xf32, #tpu.memory_space<vmem>>) target(%dma_start3A_105 : memref<80x128xf32, #tpu.memory_space<hbm>>) target_semaphore(%arg19 : memref<!tpu.dma_semaphore, #tpu.memory_space<semaphore_mem>>)
      } else {
      }
    }
    %scan3A_14 = arith.constant 63 : i32
    %dma_wait3A = arith.constant 0 : i32
    %dma_wait3A_15 = arith.constant 0 : i32
    %dma_wait3A_16 = tpu.memref_slice %arg2[%dma_wait3A, %dma_wait3A_15] : memref<10000x128xf32, #tpu.memory_space<hbm>> -> memref<80x128xf32, #tpu.memory_space<hbm>>
    %dma_wait3A_17 = arith.constant 0 : i32
    %dma_wait3A_18 = arith.constant 0 : i32
    %dma_wait3A_19 = tpu.memref_slice %arg2[%dma_wait3A_17, %dma_wait3A_18] : memref<10000x128xf32, #tpu.memory_space<hbm>> -> memref<80x128xf32, #tpu.memory_space<hbm>>
    tpu.wait_dma2 semaphore(%arg18 : memref<!tpu.dma_semaphore, #tpu.memory_space<semaphore_mem>>) src(%dma_wait3A_19 : memref<80x128xf32, #tpu.memory_space<hbm>>) dst(%arg10 : memref<80x128xf32, #tpu.memory_space<vmem>>)
    %dma_wait3A_20 = arith.constant 0 : i32
    %dma_wait3A_21 = arith.constant 0 : i32
    %dma_wait3A_22 = tpu.memref_slice %arg2[%dma_wait3A_20, %dma_wait3A_21] : memref<10000x128xf32, #tpu.memory_space<hbm>> -> memref<80x128xf32, #tpu.memory_space<hbm>>
    %dma_wait3A_23 = arith.constant 0 : i32
    %dma_wait3A_24 = arith.constant 0 : i32
    %dma_wait3A_25 = tpu.memref_slice %arg2[%dma_wait3A_23, %dma_wait3A_24] : memref<10000x128xf32, #tpu.memory_space<hbm>> -> memref<80x128xf32, #tpu.memory_space<hbm>>
    tpu.wait_dma2 semaphore(%arg19 : memref<!tpu.dma_semaphore, #tpu.memory_space<semaphore_mem>>) src(%dma_wait3A_25 : memref<80x128xf32, #tpu.memory_space<hbm>>) dst(%arg13 : memref<80x128xf32, #tpu.memory_space<vmem>>)
    return
  }
}

module attributes {stable_mosaic.version = 14 : i64} {
  func.func @_proj_body(%arg0: memref<10000x128xf32, #tpu.memory_space<vmem>>, %arg1: memref<128x128xf32, #tpu.memory_space<vmem>>, %arg2: memref<10000x128xf32, #tpu.memory_space<vmem>>) attributes {dimension_semantics = [], scalar_prefetch = 0 : i64, scratch_operands = 0 : i64, tpu.core_type = #tpu.core_type<tc>} {
    %get3A = arith.constant 0 : index
    %get3A_0 = arith.constant 0 : index
    %get3A_1 = vector.load %arg0[%get3A, %get3A_0] : memref<10000x128xf32, #tpu.memory_space<vmem>>, vector<10000x128xf32>
    %get3A_2 = arith.constant 0 : index
    %get3A_3 = arith.constant 0 : index
    %get3A_4 = vector.load %arg1[%get3A_2, %get3A_3] : memref<128x128xf32, #tpu.memory_space<vmem>>, vector<128x128xf32>
    %dot_general3A = arith.constant dense<0.000000e+00> : vector<10000x128xf32>
    %dot_general3A_5 = tpu.matmul %get3A_1, %get3A_4, %dot_general3A {dimension_numbers = #tpu.dot_dimension_numbers<[1], [0], [0], [1], [0, 0, 1, 1], [], []>, transpose_lhs_hint = false} : vector<10000x128xf32>, vector<128x128xf32>, vector<10000x128xf32> -> vector<10000x128xf32>
    %swap3A = arith.constant 0 : index
    %swap3A_6 = arith.constant 0 : index
    %swap3A_7 = vector.load %arg2[%swap3A, %swap3A_6] : memref<10000x128xf32, #tpu.memory_space<vmem>>, vector<10000x128xf32>
    tpu.vector_store %arg2[%swap3A, %swap3A_6], %dot_general3A_5 {strides = array<i32>} : memref<10000x128xf32, #tpu.memory_space<vmem>>, vector<10000x128xf32>,
    return
  }
}

module attributes {stable_mosaic.version = 14 : i64} {
  func.func @_edge_mlp_body(%arg0: i32, %arg1: memref<3200x128xf32, #tpu.memory_space<vmem>>, %arg2: memref<3200x16xf32, #tpu.memory_space<vmem>>, %arg3: memref<16x128xf32, #tpu.memory_space<vmem>>, %arg4: memref<1x128xf32, #tpu.memory_space<vmem>>, %arg5: memref<1x128xf32, #tpu.memory_space<vmem>>, %arg6: memref<1x128xf32, #tpu.memory_space<vmem>>, %arg7: memref<3200x128xf32, #tpu.memory_space<vmem>>) attributes {dimension_semantics = [#tpu.dimension_semantics<arbitrary>], iteration_bounds = array<i64: 100>, scalar_prefetch = 0 : i64, scratch_operands = 0 : i64, tpu.core_type = #tpu.core_type<tc>, window_params = [{transform_indices = @transform_0, window_bounds = array<i64: 3200, 128>}, {transform_indices = @transform_1, window_bounds = array<i64: 3200, 16>}, {pipeline_mode = #tpu.pipeline_mode<synchronous>, transform_indices = @transform_2, window_bounds = array<i64: 16, 128>}, {pipeline_mode = #tpu.pipeline_mode<synchronous>, transform_indices = @transform_3, window_bounds = array<i64: 1, 128>}, {pipeline_mode = #tpu.pipeline_mode<synchronous>, transform_indices = @transform_4, window_bounds = array<i64: 1, 128>}, {pipeline_mode = #tpu.pipeline_mode<synchronous>, transform_indices = @transform_5, window_bounds = array<i64: 1, 128>}, {transform_indices = @transform_6, window_bounds = array<i64: 3200, 128>}]} {
    %get3A = arith.constant 0 : index
    %get3A_0 = arith.constant 0 : index
    %get3A_1 = vector.load %arg1[%get3A, %get3A_0] : memref<3200x128xf32, #tpu.memory_space<vmem>>, vector<3200x128xf32>
    %get3A_2 = arith.constant 0 : index
    %get3A_3 = arith.constant 0 : index
    %get3A_4 = vector.load %arg2[%get3A_2, %get3A_3] : memref<3200x16xf32, #tpu.memory_space<vmem>>, vector<3200x16xf32>
    %get3A_5 = arith.constant 0 : index
    %get3A_6 = arith.constant 0 : index
    %get3A_7 = vector.load %arg3[%get3A_5, %get3A_6] : memref<16x128xf32, #tpu.memory_space<vmem>>, vector<16x128xf32>
    %dot_general3A = arith.constant dense<0.000000e+00> : vector<3200x128xf32>
    %dot_general3A_8 = tpu.matmul %get3A_4, %get3A_7, %dot_general3A {dimension_numbers = #tpu.dot_dimension_numbers<[1], [0], [0], [1], [0, 0, 1, 1], [], []>, transpose_lhs_hint = false} : vector<3200x16xf32>, vector<16x128xf32>, vector<3200x128xf32> -> vector<3200x128xf32>
    %add3A = arith.addf %get3A_1, %dot_general3A_8 : vector<3200x128xf32>
    %get3A_9 = arith.constant 0 : index
    %get3A_10 = arith.constant 0 : index
    %get3A_11 = vector.load %arg4[%get3A_9, %get3A_10] : memref<1x128xf32, #tpu.memory_space<vmem>>, vector<1x128xf32>
    %add3A_12 = vector.broadcast %get3A_11 : vector<1x128xf32> to vector<3200x128xf32>
    %add3A_13 = arith.addf %add3A, %add3A_12 : vector<3200x128xf32>
    %max3A = arith.constant 0.000000e+00 : f32
    %max3A_14 = vector.broadcast %max3A : f32 to vector<3200x128xf32>
    %max3A_15 = arith.maximumf %add3A_13, %max3A_14 : vector<3200x128xf32>
    %reduce_sum3A = arith.constant dense<0.000000e+00> : vector<3200xf32>
    %reduce_sum3A_16 = vector.multi_reduction <add>, %max3A_15, %reduce_sum3A [1] : vector<3200x128xf32> to vector<3200xf32>
    %broadcast_in_dim3A = vector.shape_cast %reduce_sum3A_16 : vector<3200xf32> to vector<3200x1xf32>
    %div3A = arith.constant 1.280000e+02 : f32
    %div3A_17 = vector.broadcast %div3A : f32 to vector<3200x1xf32>
    %div3A_18 = arith.divf %broadcast_in_dim3A, %div3A_17 : vector<3200x1xf32>
    %sub3A = vector.broadcast %div3A_18 : vector<3200x1xf32> to vector<3200x128xf32>
    %sub3A_19 = arith.subf %max3A_15, %sub3A : vector<3200x128xf32>
    %mul3A = arith.mulf %sub3A_19, %sub3A_19 : vector<3200x128xf32>
    %reduce_sum3A_20 = arith.constant dense<0.000000e+00> : vector<3200xf32>
    %reduce_sum3A_21 = vector.multi_reduction <add>, %mul3A, %reduce_sum3A_20 [1] : vector<3200x128xf32> to vector<3200xf32>
    %broadcast_in_dim3A_22 = vector.shape_cast %reduce_sum3A_21 : vector<3200xf32> to vector<3200x1xf32>
    %div3A_23 = arith.constant 1.280000e+02 : f32
    %div3A_24 = vector.broadcast %div3A_23 : f32 to vector<3200x1xf32>
    %div3A_25 = arith.divf %broadcast_in_dim3A_22, %div3A_24 : vector<3200x1xf32>
    %add3A_26 = arith.constant 9.99999974E-6 : f32
    %add3A_27 = vector.broadcast %add3A_26 : f32 to vector<3200x1xf32>
    %add3A_28 = arith.addf %div3A_25, %add3A_27 : vector<3200x1xf32>
    %rsqrt3A = math.rsqrt %add3A_28 : vector<3200x1xf32>
    %mul3A_29 = vector.broadcast %rsqrt3A : vector<3200x1xf32> to vector<3200x128xf32>
    %mul3A_30 = arith.mulf %sub3A_19, %mul3A_29 : vector<3200x128xf32>
    %get3A_31 = arith.constant 0 : index
    %get3A_32 = arith.constant 0 : index
    %get3A_33 = vector.load %arg5[%get3A_31, %get3A_32] : memref<1x128xf32, #tpu.memory_space<vmem>>, vector<1x128xf32>
    %mul3A_34 = vector.broadcast %get3A_33 : vector<1x128xf32> to vector<3200x128xf32>
    %mul3A_35 = arith.mulf %mul3A_30, %mul3A_34 : vector<3200x128xf32>
    %get3A_36 = arith.constant 0 : index
    %get3A_37 = arith.constant 0 : index
    %get3A_38 = vector.load %arg6[%get3A_36, %get3A_37] : memref<1x128xf32, #tpu.memory_space<vmem>>, vector<1x128xf32>
    %add3A_39 = vector.broadcast %get3A_38 : vector<1x128xf32> to vector<3200x128xf32>
    %add3A_40 = arith.addf %mul3A_35, %add3A_39 : vector<3200x128xf32>
    %swap3A = arith.constant 0 : index
    %swap3A_41 = arith.constant 0 : index
    %swap3A_42 = vector.load %arg7[%swap3A, %swap3A_41] : memref<3200x128xf32, #tpu.memory_space<vmem>>, vector<3200x128xf32>
    tpu.vector_store %arg7[%swap3A, %swap3A_41], %add3A_40 {strides = array<i32>} : memref<3200x128xf32, #tpu.memory_space<vmem>>, vector<3200x128xf32>,
    return
  }
  func.func @transform_0(%arg0: i32) -> (i32, i32) {
    %c0_i32 = arith.constant 0 : i32
    %c0_i32_0 = arith.constant 0 : i32
    return %arg0, %c0_i32 : i32, i32
  }
  func.func @transform_1(%arg0: i32) -> (i32, i32) {
    %c0_i32 = arith.constant 0 : i32
    %c0_i32_0 = arith.constant 0 : i32
    return %arg0, %c0_i32 : i32, i32
  }
  func.func @transform_2(%arg0: i32) -> (i32, i32) {
    %c0_i32 = arith.constant 0 : i32
    %c0_i32_0 = arith.constant 0 : i32
    %c0_i32_1 = arith.constant 0 : i32
    return %c0_i32, %c0_i32_0 : i32, i32
  }
  func.func @transform_3(%arg0: i32) -> (i32, i32) {
    %c0_i32 = arith.constant 0 : i32
    %c0_i32_0 = arith.constant 0 : i32
    %c0_i32_1 = arith.constant 0 : i32
    return %c0_i32, %c0_i32_0 : i32, i32
  }
  func.func @transform_4(%arg0: i32) -> (i32, i32) {
    %c0_i32 = arith.constant 0 : i32
    %c0_i32_0 = arith.constant 0 : i32
    %c0_i32_1 = arith.constant 0 : i32
    return %c0_i32, %c0_i32_0 : i32, i32
  }
  func.func @transform_5(%arg0: i32) -> (i32, i32) {
    %c0_i32 = arith.constant 0 : i32
    %c0_i32_0 = arith.constant 0 : i32
    %c0_i32_1 = arith.constant 0 : i32
    return %c0_i32, %c0_i32_0 : i32, i32
  }
  func.func @transform_6(%arg0: i32) -> (i32, i32) {
    %c0_i32 = arith.constant 0 : i32
    %c0_i32_0 = arith.constant 0 : i32
    return %arg0, %c0_i32 : i32, i32
  }
}

module attributes {stable_mosaic.version = 14 : i64} {
  func.func @_node_mlp_body(%arg0: i32, %arg1: memref<2000x128xf32, #tpu.memory_space<vmem>>, %arg2: memref<2000x128xf32, #tpu.memory_space<vmem>>, %arg3: memref<2000x128xf32, #tpu.memory_space<vmem>>, %arg4: memref<128x128xf32, #tpu.memory_space<vmem>>, %arg5: memref<128x128xf32, #tpu.memory_space<vmem>>, %arg6: memref<1x128xf32, #tpu.memory_space<vmem>>, %arg7: memref<1x128xf32, #tpu.memory_space<vmem>>, %arg8: memref<1x128xf32, #tpu.memory_space<vmem>>, %arg9: memref<2000x128xf32, #tpu.memory_space<vmem>>) attributes {dimension_semantics = [#tpu.dimension_semantics<arbitrary>], iteration_bounds = array<i64: 5>, scalar_prefetch = 0 : i64, scratch_operands = 0 : i64, tpu.core_type = #tpu.core_type<tc>, window_params = [{transform_indices = @transform_0, window_bounds = array<i64: 2000, 128>}, {transform_indices = @transform_1, window_bounds = array<i64: 2000, 128>}, {transform_indices = @transform_2, window_bounds = array<i64: 2000, 128>}, {pipeline_mode = #tpu.pipeline_mode<synchronous>, transform_indices = @transform_3, window_bounds = array<i64: 128, 128>}, {pipeline_mode = #tpu.pipeline_mode<synchronous>, transform_indices = @transform_4, window_bounds = array<i64: 128, 128>}, {pipeline_mode = #tpu.pipeline_mode<synchronous>, transform_indices = @transform_5, window_bounds = array<i64: 1, 128>}, {pipeline_mode = #tpu.pipeline_mode<synchronous>, transform_indices = @transform_6, window_bounds = array<i64: 1, 128>}, {pipeline_mode = #tpu.pipeline_mode<synchronous>, transform_indices = @transform_7, window_bounds = array<i64: 1, 128>}, {transform_indices = @transform_8, window_bounds = array<i64: 2000, 128>}]} {
    %get3A = arith.constant 0 : index
    %get3A_0 = arith.constant 0 : index
    %get3A_1 = vector.load %arg2[%get3A, %get3A_0] : memref<2000x128xf32, #tpu.memory_space<vmem>>, vector<2000x128xf32>
    %get3A_2 = arith.constant 0 : index
    %get3A_3 = arith.constant 0 : index
    %get3A_4 = vector.load %arg3[%get3A_2, %get3A_3] : memref<2000x128xf32, #tpu.memory_space<vmem>>, vector<2000x128xf32>
    %add3A = arith.addf %get3A_1, %get3A_4 : vector<2000x128xf32>
    %get3A_5 = arith.constant 0 : index
    %get3A_6 = arith.constant 0 : index
    %get3A_7 = vector.load %arg1[%get3A_5, %get3A_6] : memref<2000x128xf32, #tpu.memory_space<vmem>>, vector<2000x128xf32>
    %get3A_8 = arith.constant 0 : index
    %get3A_9 = arith.constant 0 : index
    %get3A_10 = vector.load %arg4[%get3A_8, %get3A_9] : memref<128x128xf32, #tpu.memory_space<vmem>>, vector<128x128xf32>
    %dot_general3A = arith.constant dense<0.000000e+00> : vector<2000x128xf32>
    %dot_general3A_11 = tpu.matmul %get3A_7, %get3A_10, %dot_general3A {dimension_numbers = #tpu.dot_dimension_numbers<[1], [0], [0], [1], [0, 0, 1, 1], [], []>, transpose_lhs_hint = false} : vector<2000x128xf32>, vector<128x128xf32>, vector<2000x128xf32> -> vector<2000x128xf32>
    %get3A_12 = arith.constant 0 : index
    %get3A_13 = arith.constant 0 : index
    %get3A_14 = vector.load %arg5[%get3A_12, %get3A_13] : memref<128x128xf32, #tpu.memory_space<vmem>>, vector<128x128xf32>
    %dot_general3A_15 = arith.constant dense<0.000000e+00> : vector<2000x128xf32>
    %dot_general3A_16 = tpu.matmul %add3A, %get3A_14, %dot_general3A_15 {dimension_numbers = #tpu.dot_dimension_numbers<[1], [0], [0], [1], [0, 0, 1, 1], [], []>, transpose_lhs_hint = false} : vector<2000x128xf32>, vector<128x128xf32>, vector<2000x128xf32> -> vector<2000x128xf32>
    %add3A_17 = arith.addf %dot_general3A_11, %dot_general3A_16 : vector<2000x128xf32>
    %get3A_18 = arith.constant 0 : index
    %get3A_19 = arith.constant 0 : index
    %get3A_20 = vector.load %arg6[%get3A_18, %get3A_19] : memref<1x128xf32, #tpu.memory_space<vmem>>, vector<1x128xf32>
    %add3A_21 = vector.broadcast %get3A_20 : vector<1x128xf32> to vector<2000x128xf32>
    %add3A_22 = arith.addf %add3A_17, %add3A_21 : vector<2000x128xf32>
    %max3A = arith.constant 0.000000e+00 : f32
    %max3A_23 = vector.broadcast %max3A : f32 to vector<2000x128xf32>
    %max3A_24 = arith.maximumf %add3A_22, %max3A_23 : vector<2000x128xf32>
    %reduce_sum3A = arith.constant dense<0.000000e+00> : vector<2000xf32>
    %reduce_sum3A_25 = vector.multi_reduction <add>, %max3A_24, %reduce_sum3A [1] : vector<2000x128xf32> to vector<2000xf32>
    %broadcast_in_dim3A = vector.shape_cast %reduce_sum3A_25 : vector<2000xf32> to vector<2000x1xf32>
    %div3A = arith.constant 1.280000e+02 : f32
    %div3A_26 = vector.broadcast %div3A : f32 to vector<2000x1xf32>
    %div3A_27 = arith.divf %broadcast_in_dim3A, %div3A_26 : vector<2000x1xf32>
    %sub3A = vector.broadcast %div3A_27 : vector<2000x1xf32> to vector<2000x128xf32>
    %sub3A_28 = arith.subf %max3A_24, %sub3A : vector<2000x128xf32>
    %mul3A = arith.mulf %sub3A_28, %sub3A_28 : vector<2000x128xf32>
    %reduce_sum3A_29 = arith.constant dense<0.000000e+00> : vector<2000xf32>
    %reduce_sum3A_30 = vector.multi_reduction <add>, %mul3A, %reduce_sum3A_29 [1] : vector<2000x128xf32> to vector<2000xf32>
    %broadcast_in_dim3A_31 = vector.shape_cast %reduce_sum3A_30 : vector<2000xf32> to vector<2000x1xf32>
    %div3A_32 = arith.constant 1.280000e+02 : f32
    %div3A_33 = vector.broadcast %div3A_32 : f32 to vector<2000x1xf32>
    %div3A_34 = arith.divf %broadcast_in_dim3A_31, %div3A_33 : vector<2000x1xf32>
    %add3A_35 = arith.constant 9.99999974E-6 : f32
    %add3A_36 = vector.broadcast %add3A_35 : f32 to vector<2000x1xf32>
    %add3A_37 = arith.addf %div3A_34, %add3A_36 : vector<2000x1xf32>
    %rsqrt3A = math.rsqrt %add3A_37 : vector<2000x1xf32>
    %mul3A_38 = vector.broadcast %rsqrt3A : vector<2000x1xf32> to vector<2000x128xf32>
    %mul3A_39 = arith.mulf %sub3A_28, %mul3A_38 : vector<2000x128xf32>
    %get3A_40 = arith.constant 0 : index
    %get3A_41 = arith.constant 0 : index
    %get3A_42 = vector.load %arg7[%get3A_40, %get3A_41] : memref<1x128xf32, #tpu.memory_space<vmem>>, vector<1x128xf32>
    %mul3A_43 = vector.broadcast %get3A_42 : vector<1x128xf32> to vector<2000x128xf32>
    %mul3A_44 = arith.mulf %mul3A_39, %mul3A_43 : vector<2000x128xf32>
    %get3A_45 = arith.constant 0 : index
    %get3A_46 = arith.constant 0 : index
    %get3A_47 = vector.load %arg8[%get3A_45, %get3A_46] : memref<1x128xf32, #tpu.memory_space<vmem>>, vector<1x128xf32>
    %add3A_48 = vector.broadcast %get3A_47 : vector<1x128xf32> to vector<2000x128xf32>
    %add3A_49 = arith.addf %mul3A_44, %add3A_48 : vector<2000x128xf32>
    %get3A_50 = arith.constant 0 : index
    %get3A_51 = arith.constant 0 : index
    %get3A_52 = vector.load %arg1[%get3A_50, %get3A_51] : memref<2000x128xf32, #tpu.memory_space<vmem>>, vector<2000x128xf32>
    %add3A_53 = arith.addf %add3A_49, %get3A_52 : vector<2000x128xf32>
    %swap3A = arith.constant 0 : index
    %swap3A_54 = arith.constant 0 : index
    %swap3A_55 = vector.load %arg9[%swap3A, %swap3A_54] : memref<2000x128xf32, #tpu.memory_space<vmem>>, vector<2000x128xf32>
    tpu.vector_store %arg9[%swap3A, %swap3A_54], %add3A_53 {strides = array<i32>} : memref<2000x128xf32, #tpu.memory_space<vmem>>, vector<2000x128xf32>,
    return
  }
  func.func @transform_0(%arg0: i32) -> (i32, i32) {
    %c0_i32 = arith.constant 0 : i32
    %c0_i32_0 = arith.constant 0 : i32
    return %arg0, %c0_i32 : i32, i32
  }
  func.func @transform_1(%arg0: i32) -> (i32, i32) {
    %c0_i32 = arith.constant 0 : i32
    %c0_i32_0 = arith.constant 0 : i32
    return %arg0, %c0_i32 : i32, i32
  }
  func.func @transform_2(%arg0: i32) -> (i32, i32) {
    %c0_i32 = arith.constant 0 : i32
    %c0_i32_0 = arith.constant 0 : i32
    return %arg0, %c0_i32 : i32, i32
  }
  func.func @transform_3(%arg0: i32) -> (i32, i32) {
    %c0_i32 = arith.constant 0 : i32
    %c0_i32_0 = arith.constant 0 : i32
    %c0_i32_1 = arith.constant 0 : i32
    return %c0_i32, %c0_i32_0 : i32, i32
  }
  func.func @transform_4(%arg0: i32) -> (i32, i32) {
    %c0_i32 = arith.constant 0 : i32
    %c0_i32_0 = arith.constant 0 : i32
    %c0_i32_1 = arith.constant 0 : i32
    return %c0_i32, %c0_i32_0 : i32, i32
  }
  func.func @transform_5(%arg0: i32) -> (i32, i32) {
    %c0_i32 = arith.constant 0 : i32
    %c0_i32_0 = arith.constant 0 : i32
    %c0_i32_1 = arith.constant 0 : i32
    return %c0_i32, %c0_i32_0 : i32, i32
  }
  func.func @transform_6(%arg0: i32) -> (i32, i32) {
    %c0_i32 = arith.constant 0 : i32
    %c0_i32_0 = arith.constant 0 : i32
    %c0_i32_1 = arith.constant 0 : i32
    return %c0_i32, %c0_i32_0 : i32, i32
  }
  func.func @transform_7(%arg0: i32) -> (i32, i32) {
    %c0_i32 = arith.constant 0 : i32
    %c0_i32_0 = arith.constant 0 : i32
    %c0_i32_1 = arith.constant 0 : i32
    return %c0_i32, %c0_i32_0 : i32, i32
  }
  func.func @transform_8(%arg0: i32) -> (i32, i32) {
    %c0_i32 = arith.constant 0 : i32
    %c0_i32_0 = arith.constant 0 : i32
    return %arg0, %c0_i32 : i32, i32
  }
}

</mosaic_0001>

<sc_bundles>
// kernel: kernel.10.cloned.1.call-start
scs
__scs_entry_jumppad:
0x0: {  	(pc) =	sbr.rel $0x88, $3  }
0x1: {  	(tag) =	ssettag $0x0;
	lr =	simm.s32 $0x1  }
0x2: {  	[smem:$0x3F96] =	sst lr;
	_ =	strace $0xD0000000  }
0x3: {  	_ = 	snop  }
0x4: {  	_ = 	snop  }
0x5: {  	_ = 	snop  }
0x6: {  	_ = 	snop  }
0x7: {  	_ = 	snop  }
__scs_overlays_trampoline_lowered:
0x8: {  	[smem:$0x3FA5] =	sst s0  }
0x9: {  	[smem:$0x3FA6] =	sst s1  }
0xa: {  	[smem:$0x3FA7] =	sst s2  }
0xb: {  	[smem:$0x3FA8] =	sst s3  }
0xc: {  	[smem:$0x3FA9] =	sst s4  }
0xd: {  	[smem:$0x3FAA] =	sst s5  }
0xe: {  	[smem:$0x3FAB] =	sst s6  }
0xf: {  	[smem:$0x3FAC] =	sst s7  }
0x10: {  	[smem:$0x3FAD] =	sst s8  }
0x11: {  	[smem:$0x3FAE] =	sst s9;
	s0 =	simm.s32 @!p0 $0x0  }
0x12: {  	s1 =	sld [smem:$0x3F94];
	s0 =	simm.s32 @p0 $0x1  }
0x13: {  	[smem:$0x3FAF] =	sst s0;
	s0 =	simm.s32 @!p1 $0x0  }
0x14: {  	s2 =	sld [smem:$0x3F93];
	s0 =	simm.s32 @p1 $0x1  }
0x15: {  	[smem:$0x3FB0] =	sst s0;
	s0 =	simm.s32 @!p2 $0x0  }
0x16: {  	s3 =	sld [smem:$0x3FDB];
	s0 =	simm.s32 @p2 $0x1  }
0x17: {  	s4 =	simm.s32 $0x1BF5;
	[smem:$0x3FB2] =	sst s0  }
0x18: {  	s0 =	sld [smem:$0x3F95];
	_ =	swait.ge [sflag:s4], $0x0  }
0x19: {  	s7 =	sld [smem:$0x3F96]  }
0x1a: {  	s8 =	sadd.s32 $0xFFFFE003, lr  }
0x1b: {  	s9 =	sadd.s32 $0xFFFFFEF7, lr;
	s5 =	simm.s32 $0xFFFFFFFF;
	p2 =	slt.u32 s8, $0xFFFFF086  }
0x1c: {  	p1 =	slt.u32 s9, $0xF7A;
	s5 =	simm.s32 @!p2 $0x0  }
0x1d: {  	s5 =	simm.s32 @p1 $0x1;
	p0 =	seq.s32 s7, s2  }
0x1e: {  	s7 =	smul.u32 @!p0 $0xF7A, s2;
	p2 =	seq.s32 @!p0 s5, $0x0  }
0x1f: {  	s9 =	smul.u32 $0xF7A, s1;
	s8 =	simm.s32 @!p0 $0x1BF5;
	p2 =	por !p2, p0  }
0x20: {  	[sflag:s8] =	ssyncset.s32 @!p0 $0xFFFFF086;
	s6 =	sadd.s32 @!p0 s3, s7;
	s7 =	simm.s32 @!p0 $0x108  }
0x21: {  	s3 =	sadd.s32 s3, s9;
	s6 =	sadd.s32 @!p0 $0x88, s6;
	s7 =	simm.s32 @p2 $0x1082  }
0x22: {  	[simem:s7], [sflag:s8] =	dma.local @!p0 [hbm:s6], $0xF7A  }
0x23: {  	s9 =	sor.u32 $0xD0000000, s2;
	s6 =	simm.s32 $0x108;
	_ =	swait.ge @!p0 [sflag:s8], $0x0  }
0x24: {  	s3 =	sadd.s32 $0x88, s3;
	s6 =	simm.s32 @!p1 $0x1082;
	[sflag:s4] =	ssyncset.s32 $0xFFFFF086  }
0x25: {  	[simem:s6], [sflag:s4] =	dma.local [hbm:s3], $0xF7A  }
0x26: {  	[smem:$0x3F96] =	sst s1;
	(tag) =	ssettag s2;
	_ =	strace s9  }
0x27: {  	s1 =	sld [smem:$0x3FA6]  }
0x28: {  	s2 =	sld [smem:$0x3FA7]  }
0x29: {  	s4 =	sld [smem:$0x3FA9]  }
0x2a: {  	p0 =	seq.s32 s5, $0x0;
	s5 =	sld [smem:$0x3FAA]  }
0x2b: {  	s6 =	sld [smem:$0x3FAB]  }
0x2c: {  	s7 =	sld [smem:$0x3FAC]  }
0x2d: {  	s3 =	simm.s32 $0x108;
	s8 =	sld [smem:$0x3FAD]  }
0x2e: {  	s3 =	simm.s32 @!p0 $0x1082;
	s9 =	sld [smem:$0x3FAE]  }
0x2f: {  	lr =	sadd.s32 s0, s3;
	s0 =	sld [smem:$0x3FA5]  }
0x30: {  	s3 =	sld [smem:$0x3FA8]  }
0x31: {  	[smem:$0x3FB1] =	sst s10  }
0x32: {  	s10 =	sld [smem:$0x3FAF];
	_ =	sdelay $0x3  }
0x33: {  	p0 =	seq.s32 s10, $0x1;
	s10 =	sld [smem:$0x3FB1];
	_ =	sdelay $0x3  }
0x34: {  	[smem:$0x3FB1] =	sst s10  }
0x35: {  	s10 =	sld [smem:$0x3FB0];
	_ =	sdelay $0x3  }
0x36: {  	p1 =	seq.s32 s10, $0x1;
	s10 =	sld [smem:$0x3FB1];
	_ =	sdelay $0x3  }
0x37: {  	[smem:$0x3FB1] =	sst s10  }
0x38: {  	s10 =	sld [smem:$0x3FB2]  }
0x39: {  	_ = 	snop;
	(pc) =	sbr.ind lr, $3  }
0x3a: {  	_ = 	snop  }
0x3b: {  	_ = 	snop  }
0x3c: {  	p2 =	seq.s32 s10, $0x1;
	s10 =	sld [smem:$0x3FB1]  }
0x3d: {  	_ =	shalt  }
0x3e: {  	_ =	shalt  }
0x3f: {  	_ =	shalt  }
0x40: {  	_ =	shalt  }
0x41: {  	_ =	shalt  }
0x42: {  	_ =	shalt  }
0x43: {  	_ =	shalt  }
0x44: {  	_ =	shalt  }
0x45: {  	_ =	shalt  }
0x46: {  	_ =	shalt  }
0x47: {  	_ =	shalt  }
0x48: {  	_ =	shalt  }
0x49: {  	_ =	shalt  }
0x4a: {  	_ =	shalt  }
0x4b: {  	_ =	shalt  }
0x4c: {  	_ =	shalt  }
0x4d: {  	_ =	shalt  }
0x4e: {  	_ =	shalt  }
0x4f: {  	_ =	shalt  }
0x50: {  	_ =	shalt  }
0x51: {  	_ =	shalt  }
0x52: {  	_ =	shalt  }
0x53: {  	_ =	shalt  }
0x54: {  	_ =	shalt  }
0x55: {  	_ =	shalt  }
0x56: {  	_ =	shalt  }
0x57: {  	_ =	shalt  }
0x58: {  	_ =	shalt  }
0x59: {  	_ =	shalt  }
0x5a: {  	_ =	shalt  }
0x5b: {  	_ =	shalt  }
0x5c: {  	_ =	shalt  }
0x5d: {  	_ =	shalt  }
0x5e: {  	_ =	shalt  }
0x5f: {  	_ =	shalt  }
0x60: {  	_ =	shalt  }
0x61: {  	_ =	shalt  }
0x62: {  	_ =	shalt  }
0x63: {  	_ =	shalt  }
0x64: {  	_ =	shalt  }
0x65: {  	_ =	shalt  }
0x66: {  	_ =	shalt  }
0x67: {  	_ =	shalt  }
0x68: {  	_ =	shalt  }
0x69: {  	_ =	shalt  }
0x6a: {  	_ =	shalt  }
0x6b: {  	_ =	shalt  }
0x6c: {  	_ =	shalt  }
0x6d: {  	_ =	shalt  }
0x6e: {  	_ =	shalt  }
0x6f: {  	_ =	shalt  }
0x70: {  	_ =	shalt  }
0x71: {  	_ =	shalt  }
0x72: {  	_ =	shalt  }
0x73: {  	_ =	shalt  }
0x74: {  	_ =	shalt  }
0x75: {  	_ =	shalt  }
0x76: {  	_ =	shalt  }
0x77: {  	_ =	shalt  }
0x78: {  	_ =	shalt  }
0x79: {  	_ =	shalt  }
0x7a: {  	_ =	shalt  }
0x7b: {  	_ =	shalt  }
0x7c: {  	_ =	shalt  }
0x7d: {  	_ =	shalt  }
0x7e: {  	_ =	shalt  }
0x7f: {  	_ =	shalt  }
0x80: {  	_ =	shalt  }
0x81: {  	_ =	shalt  }
0x82: {  	_ =	shalt  }
0x83: {  	_ =	shalt  }
0x84: {  	_ =	shalt  }
0x85: {  	_ =	shalt  }
0x86: {  	_ =	shalt  }
0x87: {  	_ =	shalt  }
.Lfunc_end0:
.L_simem_size_0:
called_computation.1_lowered:
.L_overlay_start_0:
0x88: {  	s2 =	sld [smem:$0x3FD9]  }
0x89: {  	s3 =	sld [smem:$0x3FFE];
	_ =	sdelay $0x1  }
0x8a: {  	s1 =	srdreg.scid  }
0x8b: {  	s0 =	sand.u32 $0x1, s1  }
0x8c: {  	s14 =	sshll.u32 s0, $0xA;
	s2 =	sadd.s32 s3, s2  }
0x8d: {  	s2 =	sadd.s32 s2, s14  }
0x8e: {  	[smem:$0x3FBD] =	sst s2  }
0x8f: {  	_ = 	snop  }
0x90: {  	s2 =	sld [smem:$0x3FD0];
	_ =	sdelay $0x2  }
0x91: {  	s15 =	simm.s32 $0xA;
	s4 =	simm.s32 $0x10  }
0x92: {  	[smem:s4], [sflag:s15] =	dma.local [hbm:s2], $0x1  }
0x93: {  	_ =	swait.eq [sflag:s15], $0x1  }
0x94: {  	[sflag:s15] =	ssyncset.done $0x0  }
0x95: {  	[sflag:s15] =	ssyncadd.s32 $0xFFFFFFFF  }
0x96: {  	s16 =	sld [smem:$0x11];
	(tm) =	ssettm $0x1  }
0x97: {  	s17 =	sld [smem:$0x3FFB];
	_ =	sdelay $0x3  }
0x98: {  	_ =	strace s17  }
0x99: {  	s3 =	sld [smem:$0x3FFC];
	_ =	sdelay $0x3  }
0x9a: {  	_ =	strace s3  }
0x9b: {  	s3 =	sld [smem:$0x3FFD];
	_ =	sdelay $0x3  }
0x9c: {  	_ =	strace s3  }
0x9d: {  	_ =	strace $0x8FFFFFFF  }
0x9e: {  	s18 =	sld [smem:$0x3FDB];
	_ =	sdelay $0x1  }
0x9f: {  	s19 =	simm.s32 $_scs_section_size  }
0xa0: {  	s5 =	simm.s32 $_size__tile_overlayer_lowered;
	s6 =	simm.s32 $_tile_overlayer_lowered  }
0xa1: {  	s22 =	simm.s32 $0x1BFF;
	s21 =	sshll.u32 s6, $0x1;
	s3 =	sadd.s32 s19, s18  }
0xa2: {  	s7 =	simm.s32 $0x0;
	s20 =	sshll.u32 s5, $0x1;
	s5 =	sadd.s32 s21, s3  }
0xa3: {  	[timem:s7], [sflag:s22] =	dma.local [hbm:s5], s20  }
0xa4: {  	_ =	swait.ge [sflag:s22], s20  }
0xa5: {  	s4 =	ssub.s32 $0x0, s20;
	[sflag:s22] =	ssyncset.done $0x0  }
0xa6: {  	[sflag:s22] =	ssyncadd.s32 s4;
	_ =	sdelay $0x1  }
0xa7: {  	s23 =	simm.s32 $0x1B8B  }
0xa8: {  	_ =	swait.ge [sflag:s23], $0x1  }
0xa9: {  	[sflag:s23] =	ssyncset.done $0x0  }
0xaa: {  	s25 =	simm.s32 $0x1B8E;
	s24 =	sld [smem:$0x3FFE];
	[sflag:s23] =	ssyncadd.s32 $0xFFFFFFFF  }
0xab: {  	s26 =	simm.s32 $execute0_lowered;
	[smem:$0x3FD2] =	sst s25  }
0xac: {  	s5 =	sshll.u32 s26, $0x1;
	_ =	strace $0x80000049;
	[dreg:$0x1] =	wrdreg $0xFFFFFFFF  }
0xad: {  	s28 =	simm.s32 $_size_execute0_lowered;
	s3 =	sadd.s32 s3, s5;
	[dreg:$0x0] =	wrdreg $0x0  }
0xae: {  	s5 =	sshll.u32 s28, $0x1;
	[dreg:$0x2] =	wrdreg s3  }
0xaf: {  	[dreg:$0x3] =	wrdreg s5  }
0xb0: {  	[dreg:$0x4] =	wrdreg $0xC0  }
0xb1: {  	_ =	task [dreg:s7], $0x5FFFF  }
0xb2: {  	[dreg:$0x1] =	wrdreg $0xFFFFFFFF  }
0xb3: {  	[dreg:$0x0] =	wrdreg $0x60  }
0xb4: {  	[dreg:$0x2] =	wrdreg s16  }
0xb5: {  	[dreg:$0x3] =	wrdreg s24  }
0xb6: {  	[dreg:$0x4] =	wrdreg $0x65000  }
0xb7: {  	[dreg:$0x5] =	wrdreg $0x9  }
0xb8: {  	_ =	task.clear_ibuf [dreg:s7], $0x6FFFF;
	_ =	strace $0x90000049  }
0xb9: {  	s29 =	simm.s32 $0x9;
	_ =	strace $0x8000004B  }
0xba: {  	_ =	swait.ge [sflag:s29], $0x1  }
0xbb: {  	[sflag:s29] =	ssyncadd.s32 $0xFFFFFFFF  }
0xbc: {  	_ =	strace $0x9000004B  }
0xbd: {  	_ =	sfence  }
0xbe: {  	s30 =	sld [smem:$0x0];
	_ =	sdelay $0x2  }
0xbf: {  	s31 =	sshll.u32 s1, $0xD;
	s1 =	sshrl.u32 s1, $0x2  }
0xc0: {  	s3 =	sand.u32 $0x4000, s31;
	s1 =	sadd.s32 s1, s30  }
0xc1: {  	s0 =	sor.u32 s3, s0;
	s1 =	sshll.u32 s1, $0x11  }
0xc2: {  	s0 =	sor.u32 s1, s0  }
0xc3: {  	s0 =	sadd.s32 $0x8F2B, s0  }
0xc4: {  	[sflag:s0] =	ssyncadd.remote.s32 $0x1  }
0xc5: {  	_ =	sfence.sel $0xFFFF  }
0xc6: {  	[dreg:$0x0] =	wrdreg $0xFFFFFFFF;
	(pc) =	sbr.abs _section_cstart, $3  }
0xc7: {  	[dreg:$0x1] =	wrdreg $0xFFFFFFFF  }
0xc8: {  	_ =	task.clear_ibuf [dreg:s7], $0x2FFFF;
	_ =	strace $0x9FFFFFFF  }
0xc9: {  	(tm) =	ssettm $0x7FFFFFFF  }
tec
execute0_lowered:
.L_overlay_start_1:
0x0: {  	(tag) =	ssettag $0x1  }
0x1: {  	s10 =	rddreg [dreg:$0x0]  }
0x2: {  	s8 =	rddreg [dreg:$0x1]  }
0x3: {  	s1 =	srdreg.scid;
	s0 =	stileid.u32  }
0x4: {  	s2 =	rddreg [dreg:$0x2];
	s3 =	simm.s32 $0x0;
	s4 =	smul.u32 $0x4E20, s0  }
0x5: {  	s14 =	simm.s32 $0x33600;
	s17 =	simm.s32 $0x0;
	s6 =	smul.u32 $0x4F000, s0  }
0x6: {  	s9 =	sand.u32 $0x1, s1;
	s1 =	rddreg [dreg:$0x3];
	s13 =	smul.u32 $0x2780, s0  }
0x7: {  	[smem:$0x7FF] =	sst s3;
	s15 =	smul.u32 $0x4E200, s0;
	s31 =	sshll.u32 s0, $0x6  }
0x8: {  	s5 =	smul.u32 $0x2710, s9;
	_ =	strace $0x8000004A;
	s30 =	ssub.s32 $0x2, s9  }
0x9: {  	p0 =	seq.s32 s9, $0x1;
	s16 =	smul.u32 $0x27100, s9;
	s6 =	sshrl.u32 s6, $0x2  }
0xa: {  	s11 =	sshrl.u32 s30, $0x1;
	s14 =	simm.s32 @!p0 $0xBE00;
	s10 =	sadd.s32 s15, s10  }
0xb: {  	s15 =	sor.u32 $0x1C01, s31;
	s4 =	sadd.s32 s5, s4;
	s11 =	ssub.s32 s30, s11  }
0xc: {  	s14 =	sadd.s32 s14, s8;
	s10 =	sadd.s32 s16, s10;
	s7 =	sshrl.u32 s4, $0x3  }
0xd: {  	s4 =	sadd.s32 s6, s2;
	s9 =	sadd.s32 s14, s13;
	s13 =	simm.s32 $0x1  }
0xe: {  	s14 =	simm.s32 $0xC8;
	s12 =	sadd.s32 s7, s8;
	s5 =	sadd.s32 $0x6400, s4  }
0xf: {  	s6 =	sadd.s32 $0xC800, s4;
	s7 =	sadd.s32 $0x12C00, s4;
	s8 =	smax.u32 s11, $0x1  }
0x10: {  	v0 =	vimm.f32 $0.0e+00;
	s16 =	sshrl.u32 s4, $0x3;
	s11 =	sadd.s32 $0x2000, s12;
	s12 =	simm.s32 $0x100  }
.LBB2_1:
0x11: {  	s18 =	simm.s32 $0x0;
	s19 =	simm.s32 $0x200  }
.LBB2_2:
0x12: {  	p0 =	sne.s32 s19, $0x18E00;
	[tilespmem:s18+$0x170] =	vst v0  }
0x13: {  	[tilespmem:s18+$0x100] =	vst v0  }
0x14: {  	[tilespmem:s18+$0x110] =	vst v0  }
.Ltmp0:
0x15: {  	[tilespmem:s18+$0x120] =	vst v0;
	(pc) =	sbr.rel @p0 .LBB2_2-.Ltmp0, $4  }
0x16: {  	[tilespmem:s18+$0x130] =	vst v0  }
0x17: {  	[tilespmem:s18+$0x140] =	vst v0  }
0x18: {  	[tilespmem:s18+$0x150] =	vst v0  }
0x19: {  	[tilespmem:s18+$0x160] =	vst v0;
	s18 =	sshra.s32 s19, $0x2;
	s19 =	sadd.s32 $0x200, s19  }
0x1a: {  	[tilespmem:s18+$0x170] =	vst v0  }
0x1b: {  	[tilespmem:s18+$0x100] =	vst v0  }
0x1c: {  	[tilespmem:s18+$0x110] =	vst v0  }
0x1d: {  	[tilespmem:s18+$0x120] =	vst v0  }
0x1e: {  	[tilespmem:s18+$0x130] =	vst v0  }
0x1f: {  	[tilespmem:s18+$0x140] =	vst v0  }
0x20: {  	[tilespmem:s18+$0x150] =	vst v0  }
0x21: {  	[tilespmem:s18+$0x160] =	vst v0  }
0x22: {  	[spmem:s4] =	stream.linear.scatter [tilespmem:s12], [sflag:$0x1], $0x6400, $0x38;
	[tilespmem:$0x1A100] =	vst v63  }
0x23: {  	_ =	swait.ge [sflag:s13], $0x6400  }
0x24: {  	[sflag:s13] =	ssyncset.done $0x0  }
0x25: {  	[sflag:s13] =	ssyncadd.s32 $0xFFFF9C00  }
0x26: {  	[spmem:s5] =	stream.linear.scatter [tilespmem:s12], [sflag:$0x1], $0x6400, $0x38;
	[tilespmem:$0x1A100] =	vst v63  }
0x27: {  	_ =	swait.ge [sflag:s13], $0x6400  }
0x28: {  	[sflag:s13] =	ssyncset.done $0x0  }
0x29: {  	[sflag:s13] =	ssyncadd.s32 $0xFFFF9C00  }
0x2a: {  	[spmem:s6] =	stream.linear.scatter [tilespmem:s12], [sflag:$0x1], $0x6400, $0x38;
	[tilespmem:$0x1A100] =	vst v63  }
0x2b: {  	_ =	swait.ge [sflag:s13], $0x6400  }
0x2c: {  	[sflag:s13] =	ssyncset.done $0x0  }
0x2d: {  	[sflag:s13] =	ssyncadd.s32 $0xFFFF9C00  }
0x2e: {  	[spmem:s7] =	stream.linear.scatter [tilespmem:s12], [sflag:$0x1], $0x1000, $0x38;
	[tilespmem:$0x1A100] =	vst v63  }
0x2f: {  	_ =	swait.ge [sflag:s13], $0x1000  }
0x30: {  	[sflag:s13] =	ssyncset.done $0x0  }
0x31: {  	[sflag:s13] =	ssyncadd.s32 $0xFFFFF000  }
0x32: {  	s31 =	sadd.s32 $0x0, s11;
	[bflag:$0x0] =	sbarrier.arrive $0xFFFF  }
0x33: {  	[tilespmem:s3], [sflag:$0x1] =	stream.linear.gather [hbm4b:s31+s3], $0xC8, $0x38;
	[tilespmem:$0x1A100] =	vst v63  }
0x34: {  	_ =	swait.ge [sflag:s13], $0xC8  }
0x35: {  	[sflag:s13] =	ssyncset.done $0x0  }
0x36: {  	[sflag:s13] =	ssyncadd.s32 $0xFFFFFF38  }
0x37: {  	[tilespmem:s12], [sflag:$0x1] =	stream.linear.gather [hbm4b:s10+s3], $0x6400, $0x38;
	[tilespmem:$0x1A100] =	vst v63  }
0x38: {  	_ =	swait.ge [sflag:s13], $0x6400  }
0x39: {  	[sflag:s13] =	ssyncset.done $0x0  }
0x3a: {  	[sflag:s13] =	ssyncadd.s32 $0xFFFF9C00  }
0x3b: {  	[spmem:s2] =	stream.indirect.scatter.add.f32 [tilespmem:s12], [sflag:$0x1], $0x80, s3, s14, $0xb8;
	[tilespmem:$0x1A100] =	vst v63  }
0x3c: {  	s19 =	simm.s32 $0x19;
	_ =	swait.ge [sflag:s13], $0x6400  }
0x3d: {  	s20 =	simm.s32 $0x32;
	s18 =	sadd.s32 $0xC80, s10;
	[sflag:s13] =	ssyncset.done $0x0  }
.LBB2_4:
0x3e: {  	s21 =	sadd.s32 s19, s11  }
0x3f: {  	[sflag:s13] =	ssyncadd.s32 $0xFFFF9C00;
	s19 =	smov.u32 s20;
	s22 =	sadd.s32 $0x19, s20  }
0x40: {  	[tilespmem:s3], [sflag:$0x1] =	stream.linear.gather [hbm4b:s21+s3], $0xC8, $0x38;
	[tilespmem:$0x1A100] =	vst v63  }
0x41: {  	p0 =	sne.s32 s20, $0x4C9;
	_ =	swait.ge [sflag:s13], $0xC8  }
0x42: {  	[sflag:s13] =	ssyncset.done $0x0  }
0x43: {  	[sflag:s13] =	ssyncadd.s32 $0xFFFFFF38  }
0x44: {  	[tilespmem:s12], [sflag:$0x1] =	stream.linear.gather [hbm4b:s18+s3], $0x6400, $0x38;
	[tilespmem:$0x1A100] =	vst v63  }
0x45: {  	_ =	swait.ge [sflag:s13], $0x6400  }
.Ltmp1:
0x46: {  	[sflag:s13] =	ssyncset.done $0x0;
	(pc) =	sbr.rel @p0 .LBB2_4-.Ltmp1, $4  }
0x47: {  	[sflag:s13] =	ssyncadd.s32 $0xFFFF9C00  }
0x48: {  	[spmem:s2] =	stream.indirect.scatter.add.f32 [tilespmem:s12], [sflag:$0x1], $0x80, s3, s14, $0xb8;
	[tilespmem:$0x1A100] =	vst v63  }
0x49: {  	_ =	swait.ge [sflag:s13], $0x6400  }
0x4a: {  	s20 =	smov.u32 s22;
	s18 =	sadd.s32 $0xC80, s18;
	[sflag:s13] =	ssyncset.done $0x0  }
0x4b: {  	s19 =	sadd.s32 s19, s11;
	[sflag:s13] =	ssyncadd.s32 $0xFFFF9C00  }
0x4c: {  	[tilespmem:s3], [sflag:$0x1] =	stream.linear.gather [hbm4b:s19+s3], $0xC8, $0x38;
	[tilespmem:$0x1A100] =	vst v63  }
0x4d: {  	_ =	swait.ge [sflag:s13], $0xC8  }
0x4e: {  	[sflag:s13] =	ssyncset.done $0x0  }
0x4f: {  	[sflag:s13] =	ssyncadd.s32 $0xFFFFFF38  }
0x50: {  	[tilespmem:s12], [sflag:$0x1] =	stream.linear.gather [hbm4b:s18+s3], $0x6400, $0x38;
	[tilespmem:$0x1A100] =	vst v63  }
0x51: {  	_ =	swait.ge [sflag:s13], $0x6400  }
0x52: {  	[sflag:s13] =	ssyncset.done $0x0  }
0x53: {  	[sflag:s13] =	ssyncadd.s32 $0xFFFF9C00  }
0x54: {  	[spmem:s2] =	stream.indirect.scatter.add.f32 [tilespmem:s12], [sflag:$0x1], $0x80, s3, s14, $0xb8;
	[tilespmem:$0x1A100] =	vst v63  }
0x55: {  	_ =	swait.ge [sflag:s13], $0x6400  }
0x56: {  	s17 =	sadd.s32 $0x1, s17;
	[sflag:s13] =	ssyncset.done $0x0  }
0x57: {  	p0 =	sne.s32 s17, s8;
	[sflag:s13] =	ssyncadd.s32 $0xFFFF9C00  }
.Ltmp2:
0x58: {  	[bflag:$0x0] =	sbarrier.arrive $0xFFFF;
	(pc) =	sbr.rel @p0 .LBB2_1-.Ltmp2, $4  }
0x59: {  	[hbm:s9], [sflag:s15] =	dma.local [spmem:s16], $0x2780  }
0x5a: {  	_ =	swait.ge [sflag:s13], $0x2780  }
0x5b: {  	[sflag:s13] =	ssyncset.done $0x0  }
0x5c: {  	[sflag:s13] =	ssyncadd.s32 $0xFFFFD880  }
0x5d: {  	_ =	sfence.sel $0x180000  }
0x5e: {  	[bflag:$0x0] =	sbarrier.arrive $0xFFFF  }
0x5f: {  	p0 =	sne.s32 s0, $0x0;
	_ =	strace $0x9000004A  }
0x60: {  	s0 =	sadd.s32 @!p0 $0x100000, s1;
	[bflag:$0x2] =	sbarrier.arrive $0xFFFF  }
0x61: {  	[sflag:s0] =	ssyncadd.tile.s32 @!p0 $0x1;
	_ =	shalt  }
.Lfunc_end2:
_tile_overlayer_lowered:
.L_overlay_start_2:
0x62: {  	(tag) =	ssettag $0x2  }
0x63: {  	s0 =	rddreg [dreg:$0x0];
	s2 =	stileid.u32  }
0x64: {  	s1 =	rddreg [dreg:$0x1];
	p0 =	sne.s32 s2, $0x0  }
0x65: {  	s3 =	rddreg [dreg:$0x2];
	[bflag:$0x3] =	sbarrier.arrive $0xFFFF;
	s2 =	simm.s32 @!p0 $0x1C01  }
0x66: {  	[timem:s3], [sflag:s2] =	dma.local @!p0 [hbm:s0], s1  }
0x67: {  	s0 =	simm.s32 @!p0 $0x1  }
0x68: {  	_ =	swait.ge @!p0 [sflag:s0], s1  }
0x69: {  	s1 =	ssub.s32 @!p0 $0x0, s1;
	[sflag:s0] =	ssyncset.done @!p0 $0x0  }
0x6a: {  	[sflag:s0] =	ssyncadd.s32 @!p0 s1  }
0x6b: {  	[bflag:$0x3] =	sbarrier.arrive $0xFFFF  }
0x6c: {  	_ =	shalt  }

// kernel: kernel.7.cloned.1.call-start
scs
__scs_entry_jumppad:
0x0: {  	(pc) =	sbr.rel $0x88, $3  }
0x1: {  	(tag) =	ssettag $0x0;
	lr =	simm.s32 $0x1  }
0x2: {  	[smem:$0x3F96] =	sst lr;
	_ =	strace $0xD0000000  }
0x3: {  	_ = 	snop  }
0x4: {  	_ = 	snop  }
0x5: {  	_ = 	snop  }
0x6: {  	_ = 	snop  }
0x7: {  	_ = 	snop  }
__scs_overlays_trampoline_lowered:
0x8: {  	[smem:$0x3FA5] =	sst s0  }
0x9: {  	[smem:$0x3FA6] =	sst s1  }
0xa: {  	[smem:$0x3FA7] =	sst s2  }
0xb: {  	[smem:$0x3FA8] =	sst s3  }
0xc: {  	[smem:$0x3FA9] =	sst s4  }
0xd: {  	[smem:$0x3FAA] =	sst s5  }
0xe: {  	[smem:$0x3FAB] =	sst s6  }
0xf: {  	[smem:$0x3FAC] =	sst s7  }
0x10: {  	[smem:$0x3FAD] =	sst s8  }
0x11: {  	[smem:$0x3FAE] =	sst s9;
	s0 =	simm.s32 @!p0 $0x0  }
0x12: {  	s1 =	sld [smem:$0x3F94];
	s0 =	simm.s32 @p0 $0x1  }
0x13: {  	[smem:$0x3FAF] =	sst s0;
	s0 =	simm.s32 @!p1 $0x0  }
0x14: {  	s2 =	sld [smem:$0x3F93];
	s0 =	simm.s32 @p1 $0x1  }
0x15: {  	[smem:$0x3FB0] =	sst s0;
	s0 =	simm.s32 @!p2 $0x0  }
0x16: {  	s3 =	sld [smem:$0x3FDB];
	s0 =	simm.s32 @p2 $0x1  }
0x17: {  	s4 =	simm.s32 $0x1BF5;
	[smem:$0x3FB2] =	sst s0  }
0x18: {  	s0 =	sld [smem:$0x3F95];
	_ =	swait.ge [sflag:s4], $0x0  }
0x19: {  	s7 =	sld [smem:$0x3F96]  }
0x1a: {  	s8 =	sadd.s32 $0xFFFFE003, lr  }
0x1b: {  	s9 =	sadd.s32 $0xFFFFFEF7, lr;
	s5 =	simm.s32 $0xFFFFFFFF;
	p2 =	slt.u32 s8, $0xFFFFF086  }
0x1c: {  	p1 =	slt.u32 s9, $0xF7A;
	s5 =	simm.s32 @!p2 $0x0  }
0x1d: {  	s5 =	simm.s32 @p1 $0x1;
	p0 =	seq.s32 s7, s2  }
0x1e: {  	s7 =	smul.u32 @!p0 $0xF7A, s2;
	p2 =	seq.s32 @!p0 s5, $0x0  }
0x1f: {  	s9 =	smul.u32 $0xF7A, s1;
	s8 =	simm.s32 @!p0 $0x1BF5;
	p2 =	por !p2, p0  }
0x20: {  	[sflag:s8] =	ssyncset.s32 @!p0 $0xFFFFF086;
	s6 =	sadd.s32 @!p0 s3, s7;
	s7 =	simm.s32 @!p0 $0x108  }
0x21: {  	s3 =	sadd.s32 s3, s9;
	s6 =	sadd.s32 @!p0 $0x88, s6;
	s7 =	simm.s32 @p2 $0x1082  }
0x22: {  	[simem:s7], [sflag:s8] =	dma.local @!p0 [hbm:s6], $0xF7A  }
0x23: {  	s9 =	sor.u32 $0xD0000000, s2;
	s6 =	simm.s32 $0x108;
	_ =	swait.ge @!p0 [sflag:s8], $0x0  }
0x24: {  	s3 =	sadd.s32 $0x88, s3;
	s6 =	simm.s32 @!p1 $0x1082;
	[sflag:s4] =	ssyncset.s32 $0xFFFFF086  }
0x25: {  	[simem:s6], [sflag:s4] =	dma.local [hbm:s3], $0xF7A  }
0x26: {  	[smem:$0x3F96] =	sst s1;
	(tag) =	ssettag s2;
	_ =	strace s9  }
0x27: {  	s1 =	sld [smem:$0x3FA6]  }
0x28: {  	s2 =	sld [smem:$0x3FA7]  }
0x29: {  	s4 =	sld [smem:$0x3FA9]  }
0x2a: {  	p0 =	seq.s32 s5, $0x0;
	s5 =	sld [smem:$0x3FAA]  }
0x2b: {  	s6 =	sld [smem:$0x3FAB]  }
0x2c: {  	s7 =	sld [smem:$0x3FAC]  }
0x2d: {  	s3 =	simm.s32 $0x108;
	s8 =	sld [smem:$0x3FAD]  }
0x2e: {  	s3 =	simm.s32 @!p0 $0x1082;
	s9 =	sld [smem:$0x3FAE]  }
0x2f: {  	lr =	sadd.s32 s0, s3;
	s0 =	sld [smem:$0x3FA5]  }
0x30: {  	s3 =	sld [smem:$0x3FA8]  }
0x31: {  	[smem:$0x3FB1] =	sst s10  }
0x32: {  	s10 =	sld [smem:$0x3FAF];
	_ =	sdelay $0x3  }
0x33: {  	p0 =	seq.s32 s10, $0x1;
	s10 =	sld [smem:$0x3FB1];
	_ =	sdelay $0x3  }
0x34: {  	[smem:$0x3FB1] =	sst s10  }
0x35: {  	s10 =	sld [smem:$0x3FB0];
	_ =	sdelay $0x3  }
0x36: {  	p1 =	seq.s32 s10, $0x1;
	s10 =	sld [smem:$0x3FB1];
	_ =	sdelay $0x3  }
0x37: {  	[smem:$0x3FB1] =	sst s10  }
0x38: {  	s10 =	sld [smem:$0x3FB2]  }
0x39: {  	_ = 	snop;
	(pc) =	sbr.ind lr, $3  }
0x3a: {  	_ = 	snop  }
0x3b: {  	_ = 	snop  }
0x3c: {  	p2 =	seq.s32 s10, $0x1;
	s10 =	sld [smem:$0x3FB1]  }
0x3d: {  	_ =	shalt  }
0x3e: {  	_ =	shalt  }
0x3f: {  	_ =	shalt  }
0x40: {  	_ =	shalt  }
0x41: {  	_ =	shalt  }
0x42: {  	_ =	shalt  }
0x43: {  	_ =	shalt  }
0x44: {  	_ =	shalt  }
0x45: {  	_ =	shalt  }
0x46: {  	_ =	shalt  }
0x47: {  	_ =	shalt  }
0x48: {  	_ =	shalt  }
0x49: {  	_ =	shalt  }
0x4a: {  	_ =	shalt  }
0x4b: {  	_ =	shalt  }
0x4c: {  	_ =	shalt  }
0x4d: {  	_ =	shalt  }
0x4e: {  	_ =	shalt  }
0x4f: {  	_ =	shalt  }
0x50: {  	_ =	shalt  }
0x51: {  	_ =	shalt  }
0x52: {  	_ =	shalt  }
0x53: {  	_ =	shalt  }
0x54: {  	_ =	shalt  }
0x55: {  	_ =	shalt  }
0x56: {  	_ =	shalt  }
0x57: {  	_ =	shalt  }
0x58: {  	_ =	shalt  }
0x59: {  	_ =	shalt  }
0x5a: {  	_ =	shalt  }
0x5b: {  	_ =	shalt  }
0x5c: {  	_ =	shalt  }
0x5d: {  	_ =	shalt  }
0x5e: {  	_ =	shalt  }
0x5f: {  	_ =	shalt  }
0x60: {  	_ =	shalt  }
0x61: {  	_ =	shalt  }
0x62: {  	_ =	shalt  }
0x63: {  	_ =	shalt  }
0x64: {  	_ =	shalt  }
0x65: {  	_ =	shalt  }
0x66: {  	_ =	shalt  }
0x67: {  	_ =	shalt  }
0x68: {  	_ =	shalt  }
0x69: {  	_ =	shalt  }
0x6a: {  	_ =	shalt  }
0x6b: {  	_ =	shalt  }
0x6c: {  	_ =	shalt  }
0x6d: {  	_ =	shalt  }
0x6e: {  	_ =	shalt  }
0x6f: {  	_ =	shalt  }
0x70: {  	_ =	shalt  }
0x71: {  	_ =	shalt  }
0x72: {  	_ =	shalt  }
0x73: {  	_ =	shalt  }
0x74: {  	_ =	shalt  }
0x75: {  	_ =	shalt  }
0x76: {  	_ =	shalt  }
0x77: {  	_ =	shalt  }
0x78: {  	_ =	shalt  }
0x79: {  	_ =	shalt  }
0x7a: {  	_ =	shalt  }
0x7b: {  	_ =	shalt  }
0x7c: {  	_ =	shalt  }
0x7d: {  	_ =	shalt  }
0x7e: {  	_ =	shalt  }
0x7f: {  	_ =	shalt  }
0x80: {  	_ =	shalt  }
0x81: {  	_ =	shalt  }
0x82: {  	_ =	shalt  }
0x83: {  	_ =	shalt  }
0x84: {  	_ =	shalt  }
0x85: {  	_ =	shalt  }
0x86: {  	_ =	shalt  }
0x87: {  	_ =	shalt  }
.Lfunc_end0:
.L_simem_size_0:
called_computation_lowered:
.L_overlay_start_0:
0x88: {  	s2 =	sld [smem:$0x3FD9]  }
0x89: {  	s3 =	sld [smem:$0x3FFE];
	_ =	sdelay $0x1  }
0x8a: {  	s1 =	srdreg.scid  }
0x8b: {  	s0 =	sand.u32 $0x1, s1  }
0x8c: {  	s14 =	sshll.u32 s0, $0xA;
	s2 =	sadd.s32 s3, s2  }
0x8d: {  	s2 =	sadd.s32 s2, s14  }
0x8e: {  	[smem:$0x3FBD] =	sst s2  }
0x8f: {  	_ = 	snop  }
0x90: {  	s2 =	sld [smem:$0x3FD0];
	_ =	sdelay $0x2  }
0x91: {  	s15 =	simm.s32 $0xA;
	s4 =	simm.s32 $0x10  }
0x92: {  	[smem:s4], [sflag:s15] =	dma.local [hbm:s2], $0x1  }
0x93: {  	_ =	swait.eq [sflag:s15], $0x1  }
0x94: {  	[sflag:s15] =	ssyncset.done $0x0  }
0x95: {  	s16 =	sld [smem:$0x10];
	[sflag:s15] =	ssyncadd.s32 $0xFFFFFFFF  }
0x96: {  	s17 =	sld [smem:$0x11];
	(tm) =	ssettm $0x1  }
0x97: {  	s18 =	sld [smem:$0x3FFB];
	_ =	sdelay $0x3  }
0x98: {  	_ =	strace s18  }
0x99: {  	s4 =	sld [smem:$0x3FFC];
	_ =	sdelay $0x3  }
0x9a: {  	_ =	strace s4  }
0x9b: {  	s4 =	sld [smem:$0x3FFD];
	_ =	sdelay $0x3  }
0x9c: {  	_ =	strace s4  }
0x9d: {  	_ =	strace $0x8FFFFFFF  }
0x9e: {  	s19 =	sld [smem:$0x3FDB];
	_ =	sdelay $0x1  }
0x9f: {  	s5 =	simm.s32 $_scs_section_size  }
0xa0: {  	s6 =	simm.s32 $_size__tile_overlayer_lowered;
	s7 =	simm.s32 $_tile_overlayer_lowered  }
0xa1: {  	s22 =	simm.s32 $0x1BFF;
	s21 =	sshll.u32 s7, $0x1;
	s4 =	sadd.s32 s5, s19  }
0xa2: {  	s8 =	simm.s32 $0x0;
	s20 =	sshll.u32 s6, $0x1;
	s6 =	sadd.s32 s21, s4  }
0xa3: {  	[timem:s8], [sflag:s22] =	dma.local [hbm:s6], s20  }
0xa4: {  	_ =	swait.ge [sflag:s22], s20  }
0xa5: {  	s5 =	ssub.s32 $0x0, s20;
	[sflag:s22] =	ssyncset.done $0x0  }
0xa6: {  	[sflag:s22] =	ssyncadd.s32 s5;
	_ =	sdelay $0x1  }
0xa7: {  	s23 =	simm.s32 $0x1B8B  }
0xa8: {  	_ =	swait.ge [sflag:s23], $0x1  }
0xa9: {  	[sflag:s23] =	ssyncset.done $0x0  }
0xaa: {  	s25 =	simm.s32 $0x1B8E;
	s24 =	sld [smem:$0x3FFE];
	[sflag:s23] =	ssyncadd.s32 $0xFFFFFFFF  }
0xab: {  	s26 =	simm.s32 $execute0_lowered;
	[smem:$0x3FD2] =	sst s25  }
0xac: {  	s6 =	sshll.u32 s26, $0x1;
	_ =	strace $0x80000046;
	[dreg:$0x1] =	wrdreg $0xFFFFFFFF  }
0xad: {  	s28 =	simm.s32 $_size_execute0_lowered;
	s4 =	sadd.s32 s4, s6;
	[dreg:$0x0] =	wrdreg $0x0  }
0xae: {  	s6 =	sshll.u32 s28, $0x1;
	[dreg:$0x2] =	wrdreg s4  }
0xaf: {  	[dreg:$0x3] =	wrdreg s6  }
0xb0: {  	[dreg:$0x4] =	wrdreg $0xC0  }
0xb1: {  	_ =	task [dreg:s8], $0x5FFFF  }
0xb2: {  	[dreg:$0x1] =	wrdreg $0xFFFFFFFF  }
0xb3: {  	[dreg:$0x0] =	wrdreg $0x60  }
0xb4: {  	[dreg:$0x2] =	wrdreg s16  }
0xb5: {  	[dreg:$0x3] =	wrdreg s24  }
0xb6: {  	[dreg:$0x4] =	wrdreg s17  }
0xb7: {  	[dreg:$0x5] =	wrdreg $0x9  }
0xb8: {  	_ =	task.clear_ibuf [dreg:s8], $0x6FFFF;
	_ =	strace $0x90000046  }
0xb9: {  	s29 =	simm.s32 $0x9;
	_ =	strace $0x80000048  }
0xba: {  	_ =	swait.ge [sflag:s29], $0x1  }
0xbb: {  	[sflag:s29] =	ssyncadd.s32 $0xFFFFFFFF  }
0xbc: {  	_ =	strace $0x90000048  }
0xbd: {  	_ =	sfence  }
0xbe: {  	s30 =	sld [smem:$0x0];
	_ =	sdelay $0x2  }
0xbf: {  	s31 =	sshll.u32 s1, $0xD;
	s1 =	sshrl.u32 s1, $0x2  }
0xc0: {  	s3 =	sand.u32 $0x4000, s31;
	s1 =	sadd.s32 s1, s30  }
0xc1: {  	s0 =	sor.u32 s3, s0;
	s1 =	sshll.u32 s1, $0x11  }
0xc2: {  	s0 =	sor.u32 s1, s0  }
0xc3: {  	s0 =	sadd.s32 $0x8F2B, s0  }
0xc4: {  	[sflag:s0] =	ssyncadd.remote.s32 $0x1  }
0xc5: {  	_ =	sfence.sel $0xFFFF  }
0xc6: {  	[dreg:$0x0] =	wrdreg $0xFFFFFFFF;
	(pc) =	sbr.abs _section_cstart, $3  }
0xc7: {  	[dreg:$0x1] =	wrdreg $0xFFFFFFFF  }
0xc8: {  	_ =	task.clear_ibuf [dreg:s8], $0x2FFFF;
	_ =	strace $0x9FFFFFFF  }
0xc9: {  	(tm) =	ssettm $0x7FFFFFFF  }
tec
execute0_lowered:
.L_overlay_start_1:
0x0: {  	(tag) =	ssettag $0x1  }
0x1: {  	s1 =	rddreg [dreg:$0x0]  }
0x2: {  	s2 =	srdreg.scid;
	s5 =	rddreg [dreg:$0x1]  }
0x3: {  	s0 =	stileid.u32;
	s7 =	rddreg [dreg:$0x2];
	s10 =	simm.s32 $0x2780  }
0x4: {  	s11 =	simm.s32 $0x50;
	s12 =	simm.s32 $0x4F00;
	s13 =	simm.s32 $0x7700  }
0x5: {  	s14 =	simm.s32 $0x1;
	s15 =	simm.s32 $0x2;
	s16 =	simm.s32 $0x9F00  }
0x6: {  	s17 =	simm.s32 $0x3;
	s2 =	sand.u32 $0x1, s2;
	s3 =	sshll.u32 s0, $0x1  }
0x7: {  	s18 =	simm.s32 $0x4;
	s19 =	simm.s32 $0x11700;
	s4 =	sor.u32 s2, s3  }
0x8: {  	s20 =	simm.s32 $0x5;
	s21 =	simm.s32 $0x6;
	s4 =	smul.u32 $0x2710, s4  }
.Ltmp0:
0x9: {  	s3 =	simm.s32 $0x0;
	s2 =	ssub.s32 $0x2, s2;
	(pc) =	sbr.rel .LBB2_1-.Ltmp0, $4  }
0xa: {  	s22 =	simm.s32 $0x0;
	[smem:$0x7FF] =	sst s3;
	s9 =	sshrl.u32 s2, $0x1  }
0xb: {  	_ =	strace $0x80000047;
	s2 =	ssub.s32 s2, s9;
	s8 =	sshrl.u32 s4, $0x3  }
0xc: {  	s9 =	simm.s32 $0x7;
	s6 =	sadd.s32 s8, s5;
	s5 =	sadd.s32 $0xBE00, s5  }
0xd: {  	s7 =	sadd.s32 s7, s8;
	s8 =	smax.u32 s2, $0x1;
	s6 =	sadd.s32 $0x2000, s6  }
.LBB2_9:
0xe: {  	s22 =	sadd.s32 $0x1, s22  }
0xf: {  	_ =	swait.ge [sflag:s20], $0x2800;
	p0 =	sne.s32 s22, s8  }
.Ltmp1:
0x10: {  	[sflag:s20] =	ssyncset.done $0x0;
	(pc) =	sbr.rel @!p0 .LBB2_10-.Ltmp1, $4  }
0x11: {  	[sflag:s20] =	ssyncadd.s32 $0xFFFFD800  }
0x12: {  	_ =	swait.ge [sflag:s21], $0x2800  }
0x13: {  	[sflag:s21] =	ssyncset.done $0x0  }
0x14: {  	[sflag:s21] =	ssyncadd.s32 $0xFFFFD800  }
.LBB2_1:
0x15: {  	[tilespmem:s3], [sflag:$0x7] =	stream.linear.gather [hbm4b:s6+s3], $0x2710, $0x38;
	[tilespmem:$0x13F00] =	vst v63  }
0x16: {  	_ =	swait.ge [sflag:s9], $0x2710  }
0x17: {  	[sflag:s9] =	ssyncset.done $0x0  }
0x18: {  	[sflag:s9] =	ssyncadd.s32 $0xFFFFD8F0  }
0x19: {  	[tilespmem:s10], [sflag:$0x7] =	stream.linear.gather [hbm4b:s7+s3], $0x2710, $0x38;
	[tilespmem:$0x13F00] =	vst v63  }
0x1a: {  	_ =	swait.ge [sflag:s9], $0x2710  }
.Ltmp2:
0x1b: {  	[sflag:s9] =	ssyncset.done $0x0;
	(pc) =	sbr.rel .LBB2_2-.Ltmp2, $4  }
0x1c: {  	[sflag:s9] =	ssyncadd.s32 $0xFFFFD8F0  }
0x1d: {  	[tilespmem:s12], [sflag:$0x1] =	stream.indirect.gather [hbm4b:s1+s11], $0x80, s3, s11, $0xb8;
	[tilespmem:$0x13F00] =	vst v63  }
0x1e: {  	s23 =	simm.s32 $0x0  }
0x1f: {  	[tilespmem:s13], [sflag:$0x2] =	stream.indirect.gather [hbm4b:s1+s11], $0x80, s10, s11, $0xb8;
	[tilespmem:$0x13F00] =	vst v63  }
.LBB2_8:
0x20: {  	s23 =	sadd.s32 $0x1, s23  }
0x21: {  	p0 =	sne.s32 s23, $0x3F  }
.Ltmp3:
0x22: {  	_ = 	snop;
	(pc) =	sbr.rel @!p0 .LBB2_9-.Ltmp3, $1  }
0x23: {  	_ =	sdelay $0x3  }
.LBB2_2:
0x24: {  	s24 =	sshllo.u32 s23, $0x1  }
0x25: {  	p0 =	sgt.u32 s24, $0x7C  }
0x26: {  	s2 =	smul.u32 @!p0 $0x50, s24  }
0x27: {  	s25 =	simm.s32 @!p0 $0x50;
	s26 =	simm.s32 @!p0 $0xC700  }
0x28: {  	[tilespmem:s26], [sflag:$0x3] =	stream.indirect.gather @!p0 [hbm4b:s1+s25], $0x80, s2, s25, $0xb8;
	[tilespmem:$0x13F00] =	vst v63  }
0x29: {  	p1 =	seq.s32 s23, $0x0;
	s2 =	sadd.s32 @!p0 $0x2780, s2;
	s26 =	simm.s32 @!p0 $0xEF00  }
0x2a: {  	[tilespmem:s26], [sflag:$0x4] =	stream.indirect.gather @!p0 [hbm4b:s1+s25], $0x80, s2, s25, $0xb8;
	[tilespmem:$0x13F00] =	vst v63  }
0x2b: {  	s2 =	simm.s32 @!p1 $0x5  }
0x2c: {  	_ =	swait.ge @!p1 [sflag:s2], $0x2800  }
0x2d: {  	[sflag:s2] =	ssyncset.done @!p1 $0x0  }
0x2e: {  	[sflag:s2] =	ssyncadd.s32 @!p1 $0xFFFFD800  }
0x2f: {  	_ =	swait.ge [sflag:s14], $0x2800  }
0x30: {  	[sflag:s14] =	ssyncset.done $0x0  }
0x31: {  	[sflag:s14] =	ssyncadd.s32 $0xFFFFD800  }
0x32: {  	_ =	swait.ge [sflag:s15], $0x2800  }
0x33: {  	[sflag:s15] =	ssyncset.done $0x0  }
0x34: {  	s25 =	simm.s32 $0x4F80;
	[sflag:s15] =	ssyncadd.s32 $0xFFFFD800  }
0x35: {  	s26 =	simm.s32 $0x7780;
	v0 =	vld [tilespmem:s25+$0xFFFFFF80]  }
0x36: {  	v1 =	vld [tilespmem:s26+$0xFFFFFF80];
	_ =	sdelay $0x4  }
0x37: {  	v0 =	vsub.f32 v0, v1  }
0x38: {  	s28 =	simm.s32 $0x9F80  }
0x39: {  	[tilespmem:s28+$0xFFFFFF80] =	vst v0  }
0x3a: {  	v0 =	vld [tilespmem:s26+$0xFFFFFF90]  }
0x3b: {  	v1 =	vld [tilespmem:s25+$0xFFFFFF90];
	_ =	sdelay $0x4  }
0x3c: {  	v0 =	vsub.f32 v1, v0;
	_ =	sdelay $0x1  }
0x3d: {  	[tilespmem:s28+$0xFFFFFF90] =	vst v0  }
0x3e: {  	v0 =	vld [tilespmem:s25+$0xFFFFFFA0]  }
0x3f: {  	v1 =	vld [tilespmem:s26+$0xFFFFFFA0];
	_ =	sdelay $0x4  }
0x40: {  	v0 =	vsub.f32 v0, v1;
	_ =	sdelay $0x1  }
0x41: {  	[tilespmem:s28+$0xFFFFFFA0] =	vst v0  }
0x42: {  	v0 =	vld [tilespmem:s25+$0xFFFFFFB0]  }
0x43: {  	v1 =	vld [tilespmem:s26+$0xFFFFFFB0];
	_ =	sdelay $0x4  }
0x44: {  	v0 =	vsub.f32 v0, v1;
	_ =	sdelay $0x1  }
0x45: {  	[tilespmem:s28+$0xFFFFFFB0] =	vst v0  }
0x46: {  	v0 =	vld [tilespmem:s25+$0xFFFFFFC0]  }
0x47: {  	v1 =	vld [tilespmem:s26+$0xFFFFFFC0];
	_ =	sdelay $0x4  }
0x48: {  	v0 =	vsub.f32 v0, v1;
	_ =	sdelay $0x1  }
0x49: {  	[tilespmem:s28+$0xFFFFFFC0] =	vst v0  }
0x4a: {  	v0 =	vld [tilespmem:s25+$0xFFFFFFD0]  }
0x4b: {  	v1 =	vld [tilespmem:s26+$0xFFFFFFD0];
	_ =	sdelay $0x4  }
0x4c: {  	v0 =	vsub.f32 v0, v1;
	_ =	sdelay $0x1  }
0x4d: {  	[tilespmem:s28+$0xFFFFFFD0] =	vst v0  }
0x4e: {  	v0 =	vld [tilespmem:s25+$0xFFFFFFE0]  }
0x4f: {  	v1 =	vld [tilespmem:s26+$0xFFFFFFE0];
	_ =	sdelay $0x4  }
0x50: {  	v0 =	vsub.f32 v0, v1;
	_ =	sdelay $0x1  }
0x51: {  	[tilespmem:s28+$0xFFFFFFE0] =	vst v0  }
0x52: {  	v0 =	vld [tilespmem:s25+$0xFFFFFFF0]  }
0x53: {  	v1 =	vld [tilespmem:s26+$0xFFFFFFF0];
	_ =	sdelay $0x4  }
0x54: {  	v0 =	vsub.f32 v0, v1;
	_ =	sdelay $0x1  }
0x55: {  	[tilespmem:s28+$0xFFFFFFF0] =	vst v0  }
0x56: {  	v0 =	vld [tilespmem:s25+$0x0]  }
0x57: {  	v1 =	vld [tilespmem:s26+$0x0];
	_ =	sdelay $0x4  }
0x58: {  	v0 =	vsub.f32 v0, v1;
	_ =	sdelay $0x1  }
0x59: {  	[tilespmem:s28+$0x0] =	vst v0  }
0x5a: {  	v0 =	vld [tilespmem:s25+$0x10]  }
0x5b: {  	v1 =	vld [tilespmem:s26+$0x10];
	_ =	sdelay $0x4  }
0x5c: {  	v0 =	vsub.f32 v0, v1;
	_ =	sdelay $0x1  }
0x5d: {  	[tilespmem:s28+$0x10] =	vst v0  }
0x5e: {  	v0 =	vld [tilespmem:s25+$0x20]  }
0x5f: {  	v1 =	vld [tilespmem:s26+$0x20];
	_ =	sdelay $0x4  }
0x60: {  	v0 =	vsub.f32 v0, v1;
	_ =	sdelay $0x1  }
0x61: {  	[tilespmem:s28+$0x20] =	vst v0  }
0x62: {  	v0 =	vld [tilespmem:s25+$0x30]  }
0x63: {  	v1 =	vld [tilespmem:s26+$0x30];
	_ =	sdelay $0x4  }
0x64: {  	v0 =	vsub.f32 v0, v1;
	_ =	sdelay $0x1  }
0x65: {  	[tilespmem:s28+$0x30] =	vst v0  }
0x66: {  	v0 =	vld [tilespmem:s25+$0x40]  }
0x67: {  	v1 =	vld [tilespmem:s26+$0x40];
	_ =	sdelay $0x4  }
0x68: {  	v0 =	vsub.f32 v0, v1;
	_ =	sdelay $0x1  }
0x69: {  	[tilespmem:s28+$0x40] =	vst v0  }
0x6a: {  	v0 =	vld [tilespmem:s25+$0x50]  }
0x6b: {  	v1 =	vld [tilespmem:s26+$0x50];
	_ =	sdelay $0x4  }
0x6c: {  	v0 =	vsub.f32 v0, v1;
	_ =	sdelay $0x1  }
0x6d: {  	[tilespmem:s28+$0x50] =	vst v0  }
0x6e: {  	s30 =	simm.s32 $0x0;
	v0 =	vld [tilespmem:s25+$0x60]  }
0x6f: {  	s29 =	simm.s32 $0x9F80;
	s31 =	simm.s32 $0x7780;
	s2 =	simm.s32 $0x5080;
	v1 =	vld [tilespmem:s26+$0x60]  }
.LBB2_3:
0x70: {  	s30 =	sadd.s32 $0x2, s30;
	s28 =	sadd.s32 $0x100, s28;
	s26 =	sadd.s32 $0x100, s26  }
0x71: {  	p2 =	slt.u32 s30, $0x4E;
	_ =	sdelay $0x2  }
0x72: {  	v0 =	vsub.f32 v0, v1;
	_ =	sdelay $0x1  }
0x73: {  	[tilespmem:s29+$0x60] =	vst v0  }
0x74: {  	v0 =	vld [tilespmem:s25+$0x70];
	s25 =	smov.u32 s2  }
0x75: {  	v1 =	vld [tilespmem:s31+$0x70];
	s31 =	smov.u32 s26;
	_ =	sdelay $0x4  }
0x76: {  	v0 =	vsub.f32 v0, v1;
	_ =	sdelay $0x1  }
0x77: {  	[tilespmem:s29+$0x70] =	vst v0;
	s29 =	smov.u32 s28  }
0x78: {  	v0 =	vld [tilespmem:s2+$0xFFFFFF80]  }
0x79: {  	v1 =	vld [tilespmem:s26+$0xFFFFFF80];
	_ =	sdelay $0x4  }
0x7a: {  	v0 =	vsub.f32 v0, v1;
	_ =	sdelay $0x1  }
0x7b: {  	[tilespmem:s28+$0xFFFFFF80] =	vst v0  }
0x7c: {  	v0 =	vld [tilespmem:s26+$0xFFFFFF90]  }
0x7d: {  	v1 =	vld [tilespmem:s2+$0xFFFFFF90];
	_ =	sdelay $0x4  }
0x7e: {  	v0 =	vsub.f32 v1, v0;
	_ =	sdelay $0x1  }
0x7f: {  	[tilespmem:s28+$0xFFFFFF90] =	vst v0  }
0x80: {  	v0 =	vld [tilespmem:s2+$0xFFFFFFA0]  }
0x81: {  	v1 =	vld [tilespmem:s26+$0xFFFFFFA0];
	_ =	sdelay $0x4  }
0x82: {  	v0 =	vsub.f32 v0, v1;
	_ =	sdelay $0x1  }
0x83: {  	[tilespmem:s28+$0xFFFFFFA0] =	vst v0  }
0x84: {  	v0 =	vld [tilespmem:s2+$0xFFFFFFB0]  }
0x85: {  	v1 =	vld [tilespmem:s26+$0xFFFFFFB0];
	_ =	sdelay $0x4  }
0x86: {  	v0 =	vsub.f32 v0, v1;
	_ =	sdelay $0x1  }
0x87: {  	[tilespmem:s28+$0xFFFFFFB0] =	vst v0  }
0x88: {  	v0 =	vld [tilespmem:s2+$0xFFFFFFC0]  }
0x89: {  	v1 =	vld [tilespmem:s26+$0xFFFFFFC0];
	_ =	sdelay $0x4  }
0x8a: {  	v0 =	vsub.f32 v0, v1;
	_ =	sdelay $0x1  }
0x8b: {  	[tilespmem:s28+$0xFFFFFFC0] =	vst v0  }
0x8c: {  	v0 =	vld [tilespmem:s2+$0xFFFFFFD0]  }
0x8d: {  	v1 =	vld [tilespmem:s26+$0xFFFFFFD0];
	_ =	sdelay $0x4  }
0x8e: {  	v0 =	vsub.f32 v0, v1;
	_ =	sdelay $0x1  }
0x8f: {  	[tilespmem:s28+$0xFFFFFFD0] =	vst v0  }
0x90: {  	v0 =	vld [tilespmem:s2+$0xFFFFFFE0]  }
0x91: {  	v1 =	vld [tilespmem:s26+$0xFFFFFFE0];
	_ =	sdelay $0x4  }
0x92: {  	v0 =	vsub.f32 v0, v1;
	_ =	sdelay $0x1  }
0x93: {  	[tilespmem:s28+$0xFFFFFFE0] =	vst v0  }
0x94: {  	v0 =	vld [tilespmem:s2+$0xFFFFFFF0]  }
0x95: {  	v1 =	vld [tilespmem:s26+$0xFFFFFFF0];
	_ =	sdelay $0x4  }
0x96: {  	v0 =	vsub.f32 v0, v1;
	_ =	sdelay $0x1  }
0x97: {  	[tilespmem:s28+$0xFFFFFFF0] =	vst v0  }
0x98: {  	v0 =	vld [tilespmem:s2+$0x0]  }
0x99: {  	v1 =	vld [tilespmem:s26+$0x0];
	_ =	sdelay $0x4  }
0x9a: {  	v0 =	vsub.f32 v0, v1;
	_ =	sdelay $0x1  }
0x9b: {  	[tilespmem:s28+$0x0] =	vst v0  }
0x9c: {  	v0 =	vld [tilespmem:s2+$0x10]  }
0x9d: {  	v1 =	vld [tilespmem:s26+$0x10];
	_ =	sdelay $0x4  }
0x9e: {  	v0 =	vsub.f32 v0, v1;
	_ =	sdelay $0x1  }
0x9f: {  	[tilespmem:s28+$0x10] =	vst v0  }
0xa0: {  	v0 =	vld [tilespmem:s2+$0x20]  }
0xa1: {  	v1 =	vld [tilespmem:s26+$0x20];
	_ =	sdelay $0x4  }
0xa2: {  	v0 =	vsub.f32 v0, v1;
	_ =	sdelay $0x1  }
0xa3: {  	[tilespmem:s28+$0x20] =	vst v0  }
0xa4: {  	v0 =	vld [tilespmem:s2+$0x30]  }
0xa5: {  	v1 =	vld [tilespmem:s26+$0x30];
	_ =	sdelay $0x4  }
0xa6: {  	v0 =	vsub.f32 v0, v1;
	_ =	sdelay $0x1  }
0xa7: {  	[tilespmem:s28+$0x30] =	vst v0  }
0xa8: {  	v0 =	vld [tilespmem:s2+$0x40]  }
0xa9: {  	v1 =	vld [tilespmem:s26+$0x40];
	_ =	sdelay $0x4  }
0xaa: {  	v0 =	vsub.f32 v0, v1;
	_ =	sdelay $0x1  }
0xab: {  	[tilespmem:s28+$0x40] =	vst v0  }
0xac: {  	v0 =	vld [tilespmem:s2+$0x50]  }
0xad: {  	v1 =	vld [tilespmem:s26+$0x50];
	_ =	sdelay $0x4  }
.Ltmp4:
0xae: {  	v0 =	vsub.f32 v0, v1;
	(pc) =	sbr.rel @p2 .LBB2_3-.Ltmp4, $4  }
0xaf: {  	_ = 	snop  }
0xb0: {  	[tilespmem:s28+$0x50] =	vst v0  }
0xb1: {  	v0 =	vld [tilespmem:s2+$0x60]  }
0xb2: {  	s2 =	sadd.s32 $0x100, s2;
	v1 =	vld [tilespmem:s26+$0x60]  }
0xb3: {  	_ =	sdelay $0x3  }
0xb4: {  	v0 =	vsub.f32 v0, v1;
	_ =	sdelay $0x1  }
0xb5: {  	[tilespmem:s29+$0x60] =	vst v0  }
0xb6: {  	v0 =	vld [tilespmem:s25+$0x70]  }
0xb7: {  	v63 =	vld [tilespmem:s31+$0x70];
	_ =	sdelay $0x2  }
0xb8: {  	s2 =	smul.u32 $0xA0, s23;
	_ =	sdelay $0x1  }
0xb9: {  	s31 =	sadd.s32 s4, s2;
	v0 =	vsub.f32 v0, v63  }
0xba: {  	s25 =	sshll.u32 s31, $0x4  }
0xbb: {  	s25 =	sadd.s32 s5, s25;
	[tilespmem:s29+$0x70] =	vst v0  }
0xbc: {  	[hbm4b:s25+s3] =	stream.linear.scatter [tilespmem:s16], [sflag:$0x5], $0x2800, $0x38;
	[tilespmem:$0x13F00] =	vst v63  }
.Ltmp5:
0xbd: {  	p2 =	seq.s32 s23, $0x3E;
	(pc) =	sbr.rel @p0 .LBB2_8-.Ltmp5, $4  }
0xbe: {  	s26 =	simm.s32 @!p2 $0x50;
	s28 =	simm.s32 @!p2 $0x4F00;
	s25 =	sadd.s32 @!p2 $0xA0, s2  }
0xbf: {  	[tilespmem:s28], [sflag:$0x1] =	stream.indirect.gather @!p2 [hbm4b:s1+s26], $0x80, s25, s26, $0xb8;
	[tilespmem:$0x13F00] =	vst v63  }
0xc0: {  	s2 =	sadd.s32 @!p2 $0x2820, s2;
	s25 =	simm.s32 @!p2 $0x7700  }
0xc1: {  	[tilespmem:s25], [sflag:$0x2] =	stream.indirect.gather @!p2 [hbm4b:s1+s26], $0x80, s2, s26, $0xb8;
	[tilespmem:$0x13F00] =	vst v63  }
0xc2: {  	s2 =	simm.s32 @!p1 $0x6  }
0xc3: {  	_ =	swait.ge @!p1 [sflag:s2], $0x2800  }
0xc4: {  	[sflag:s2] =	ssyncset.done @!p1 $0x0  }
0xc5: {  	[sflag:s2] =	ssyncadd.s32 @!p1 $0xFFFFD800  }
0xc6: {  	_ =	swait.ge [sflag:s17], $0x2800  }
0xc7: {  	[sflag:s17] =	ssyncset.done $0x0  }
0xc8: {  	[sflag:s17] =	ssyncadd.s32 $0xFFFFD800  }
0xc9: {  	_ =	swait.ge [sflag:s18], $0x2800  }
0xca: {  	[sflag:s18] =	ssyncset.done $0x0  }
0xcb: {  	s25 =	simm.s32 $0xC780;
	[sflag:s18] =	ssyncadd.s32 $0xFFFFD800  }
0xcc: {  	s26 =	simm.s32 $0xEF80;
	v0 =	vld [tilespmem:s25+$0xFFFFFF80]  }
0xcd: {  	v1 =	vld [tilespmem:s26+$0xFFFFFF80];
	_ =	sdelay $0x4  }
0xce: {  	v0 =	vsub.f32 v0, v1  }
0xcf: {  	s28 =	simm.s32 $0x11780  }
0xd0: {  	[tilespmem:s28+$0xFFFFFF80] =	vst v0  }
0xd1: {  	v0 =	vld [tilespmem:s26+$0xFFFFFF90]  }
0xd2: {  	v1 =	vld [tilespmem:s25+$0xFFFFFF90];
	_ =	sdelay $0x4  }
0xd3: {  	v0 =	vsub.f32 v1, v0;
	_ =	sdelay $0x1  }
0xd4: {  	[tilespmem:s28+$0xFFFFFF90] =	vst v0  }
0xd5: {  	v0 =	vld [tilespmem:s25+$0xFFFFFFA0]  }
0xd6: {  	v1 =	vld [tilespmem:s26+$0xFFFFFFA0];
	_ =	sdelay $0x4  }
0xd7: {  	v0 =	vsub.f32 v0, v1;
	_ =	sdelay $0x1  }
0xd8: {  	[tilespmem:s28+$0xFFFFFFA0] =	vst v0  }
0xd9: {  	v0 =	vld [tilespmem:s25+$0xFFFFFFB0]  }
0xda: {  	v1 =	vld [tilespmem:s26+$0xFFFFFFB0];
	_ =	sdelay $0x4  }
0xdb: {  	v0 =	vsub.f32 v0, v1;
	_ =	sdelay $0x1  }
0xdc: {  	[tilespmem:s28+$0xFFFFFFB0] =	vst v0  }
0xdd: {  	v0 =	vld [tilespmem:s25+$0xFFFFFFC0]  }
0xde: {  	v1 =	vld [tilespmem:s26+$0xFFFFFFC0];
	_ =	sdelay $0x4  }
0xdf: {  	v0 =	vsub.f32 v0, v1;
	_ =	sdelay $0x1  }
0xe0: {  	[tilespmem:s28+$0xFFFFFFC0] =	vst v0  }
0xe1: {  	v0 =	vld [tilespmem:s25+$0xFFFFFFD0]  }
0xe2: {  	v1 =	vld [tilespmem:s26+$0xFFFFFFD0];
	_ =	sdelay $0x4  }
0xe3: {  	v0 =	vsub.f32 v0, v1;
	_ =	sdelay $0x1  }
0xe4: {  	[tilespmem:s28+$0xFFFFFFD0] =	vst v0  }
0xe5: {  	v0 =	vld [tilespmem:s25+$0xFFFFFFE0]  }
0xe6: {  	v1 =	vld [tilespmem:s26+$0xFFFFFFE0];
	_ =	sdelay $0x4  }
0xe7: {  	v0 =	vsub.f32 v0, v1;
	_ =	sdelay $0x1  }
0xe8: {  	[tilespmem:s28+$0xFFFFFFE0] =	vst v0  }
0xe9: {  	v0 =	vld [tilespmem:s25+$0xFFFFFFF0]  }
0xea: {  	v1 =	vld [tilespmem:s26+$0xFFFFFFF0];
	_ =	sdelay $0x4  }
0xeb: {  	v0 =	vsub.f32 v0, v1;
	_ =	sdelay $0x1  }
0xec: {  	[tilespmem:s28+$0xFFFFFFF0] =	vst v0  }
0xed: {  	v0 =	vld [tilespmem:s25+$0x0]  }
0xee: {  	v1 =	vld [tilespmem:s26+$0x0];
	_ =	sdelay $0x4  }
0xef: {  	v0 =	vsub.f32 v0, v1;
	_ =	sdelay $0x1  }
0xf0: {  	[tilespmem:s28+$0x0] =	vst v0  }
0xf1: {  	v0 =	vld [tilespmem:s25+$0x10]  }
0xf2: {  	v1 =	vld [tilespmem:s26+$0x10];
	_ =	sdelay $0x4  }
0xf3: {  	v0 =	vsub.f32 v0, v1;
	_ =	sdelay $0x1  }
0xf4: {  	[tilespmem:s28+$0x10] =	vst v0  }
0xf5: {  	v0 =	vld [tilespmem:s25+$0x20]  }
0xf6: {  	v1 =	vld [tilespmem:s26+$0x20];
	_ =	sdelay $0x4  }
0xf7: {  	v0 =	vsub.f32 v0, v1;
	_ =	sdelay $0x1  }
0xf8: {  	[tilespmem:s28+$0x20] =	vst v0  }
0xf9: {  	v0 =	vld [tilespmem:s25+$0x30]  }
0xfa: {  	v1 =	vld [tilespmem:s26+$0x30];
	_ =	sdelay $0x4  }
0xfb: {  	v0 =	vsub.f32 v0, v1;
	_ =	sdelay $0x1  }
0xfc: {  	[tilespmem:s28+$0x30] =	vst v0  }
0xfd: {  	v0 =	vld [tilespmem:s25+$0x40]  }
0xfe: {  	v1 =	vld [tilespmem:s26+$0x40];
	_ =	sdelay $0x4  }
0xff: {  	v0 =	vsub.f32 v0, v1;
	_ =	sdelay $0x1  }
0x100: {  	[tilespmem:s28+$0x40] =	vst v0  }
0x101: {  	v0 =	vld [tilespmem:s25+$0x50]  }
0x102: {  	v1 =	vld [tilespmem:s26+$0x50];
	_ =	sdelay $0x4  }
0x103: {  	v0 =	vsub.f32 v0, v1;
	_ =	sdelay $0x1  }
0x104: {  	[tilespmem:s28+$0x50] =	vst v0  }
0x105: {  	s30 =	simm.s32 $0x0;
	v0 =	vld [tilespmem:s25+$0x60]  }
0x106: {  	s29 =	simm.s32 $0x11780;
	s31 =	simm.s32 $0xEF80;
	s2 =	simm.s32 $0xC880;
	v1 =	vld [tilespmem:s26+$0x60]  }
.LBB2_6:
0x107: {  	s30 =	sadd.s32 $0x2, s30;
	s28 =	sadd.s32 $0x100, s28;
	s26 =	sadd.s32 $0x100, s26  }
0x108: {  	p0 =	slt.u32 s30, $0x4E;
	_ =	sdelay $0x2  }
0x109: {  	v0 =	vsub.f32 v0, v1;
	_ =	sdelay $0x1  }
0x10a: {  	[tilespmem:s29+$0x60] =	vst v0  }
0x10b: {  	v0 =	vld [tilespmem:s25+$0x70];
	s25 =	smov.u32 s2  }
0x10c: {  	v1 =	vld [tilespmem:s31+$0x70];
	s31 =	smov.u32 s26;
	_ =	sdelay $0x4  }
0x10d: {  	v0 =	vsub.f32 v0, v1;
	_ =	sdelay $0x1  }
0x10e: {  	[tilespmem:s29+$0x70] =	vst v0;
	s29 =	smov.u32 s28  }
0x10f: {  	v0 =	vld [tilespmem:s2+$0xFFFFFF80]  }
0x110: {  	v1 =	vld [tilespmem:s26+$0xFFFFFF80];
	_ =	sdelay $0x4  }
0x111: {  	v0 =	vsub.f32 v0, v1;
	_ =	sdelay $0x1  }
0x112: {  	[tilespmem:s28+$0xFFFFFF80] =	vst v0  }
0x113: {  	v0 =	vld [tilespmem:s26+$0xFFFFFF90]  }
0x114: {  	v1 =	vld [tilespmem:s2+$0xFFFFFF90];
	_ =	sdelay $0x4  }
0x115: {  	v0 =	vsub.f32 v1, v0;
	_ =	sdelay $0x1  }
0x116: {  	[tilespmem:s28+$0xFFFFFF90] =	vst v0  }
0x117: {  	v0 =	vld [tilespmem:s2+$0xFFFFFFA0]  }
0x118: {  	v1 =	vld [tilespmem:s26+$0xFFFFFFA0];
	_ =	sdelay $0x4  }
0x119: {  	v0 =	vsub.f32 v0, v1;
	_ =	sdelay $0x1  }
0x11a: {  	[tilespmem:s28+$0xFFFFFFA0] =	vst v0  }
0x11b: {  	v0 =	vld [tilespmem:s2+$0xFFFFFFB0]  }
0x11c: {  	v1 =	vld [tilespmem:s26+$0xFFFFFFB0];
	_ =	sdelay $0x4  }
0x11d: {  	v0 =	vsub.f32 v0, v1;
	_ =	sdelay $0x1  }
0x11e: {  	[tilespmem:s28+$0xFFFFFFB0] =	vst v0  }
0x11f: {  	v0 =	vld [tilespmem:s2+$0xFFFFFFC0]  }
0x120: {  	v1 =	vld [tilespmem:s26+$0xFFFFFFC0];
	_ =	sdelay $0x4  }
0x121: {  	v0 =	vsub.f32 v0, v1;
	_ =	sdelay $0x1  }
0x122: {  	[tilespmem:s28+$0xFFFFFFC0] =	vst v0  }
0x123: {  	v0 =	vld [tilespmem:s2+$0xFFFFFFD0]  }
0x124: {  	v1 =	vld [tilespmem:s26+$0xFFFFFFD0];
	_ =	sdelay $0x4  }
0x125: {  	v0 =	vsub.f32 v0, v1;
	_ =	sdelay $0x1  }
0x126: {  	[tilespmem:s28+$0xFFFFFFD0] =	vst v0  }
0x127: {  	v0 =	vld [tilespmem:s2+$0xFFFFFFE0]  }
0x128: {  	v1 =	vld [tilespmem:s26+$0xFFFFFFE0];
	_ =	sdelay $0x4  }
0x129: {  	v0 =	vsub.f32 v0, v1;
	_ =	sdelay $0x1  }
0x12a: {  	[tilespmem:s28+$0xFFFFFFE0] =	vst v0  }
0x12b: {  	v0 =	vld [tilespmem:s2+$0xFFFFFFF0]  }
0x12c: {  	v1 =	vld [tilespmem:s26+$0xFFFFFFF0];
	_ =	sdelay $0x4  }
0x12d: {  	v0 =	vsub.f32 v0, v1;
	_ =	sdelay $0x1  }
0x12e: {  	[tilespmem:s28+$0xFFFFFFF0] =	vst v0  }
0x12f: {  	v0 =	vld [tilespmem:s2+$0x0]  }
0x130: {  	v1 =	vld [tilespmem:s26+$0x0];
	_ =	sdelay $0x4  }
0x131: {  	v0 =	vsub.f32 v0, v1;
	_ =	sdelay $0x1  }
0x132: {  	[tilespmem:s28+$0x0] =	vst v0  }
0x133: {  	v0 =	vld [tilespmem:s2+$0x10]  }
0x134: {  	v1 =	vld [tilespmem:s26+$0x10];
	_ =	sdelay $0x4  }
0x135: {  	v0 =	vsub.f32 v0, v1;
	_ =	sdelay $0x1  }
0x136: {  	[tilespmem:s28+$0x10] =	vst v0  }
0x137: {  	v0 =	vld [tilespmem:s2+$0x20]  }
0x138: {  	v1 =	vld [tilespmem:s26+$0x20];
	_ =	sdelay $0x4  }
0x139: {  	v0 =	vsub.f32 v0, v1;
	_ =	sdelay $0x1  }
0x13a: {  	[tilespmem:s28+$0x20] =	vst v0  }
0x13b: {  	v0 =	vld [tilespmem:s2+$0x30]  }
0x13c: {  	v1 =	vld [tilespmem:s26+$0x30];
	_ =	sdelay $0x4  }
0x13d: {  	v0 =	vsub.f32 v0, v1;
	_ =	sdelay $0x1  }
0x13e: {  	[tilespmem:s28+$0x30] =	vst v0  }
0x13f: {  	v0 =	vld [tilespmem:s2+$0x40]  }
0x140: {  	v1 =	vld [tilespmem:s26+$0x40];
	_ =	sdelay $0x4  }
0x141: {  	v0 =	vsub.f32 v0, v1;
	_ =	sdelay $0x1  }
0x142: {  	[tilespmem:s28+$0x40] =	vst v0  }
0x143: {  	v0 =	vld [tilespmem:s2+$0x50]  }
0x144: {  	v1 =	vld [tilespmem:s26+$0x50];
	_ =	sdelay $0x4  }
.Ltmp6:
0x145: {  	v0 =	vsub.f32 v0, v1;
	(pc) =	sbr.rel @p0 .LBB2_6-.Ltmp6, $4  }
0x146: {  	_ = 	snop  }
0x147: {  	[tilespmem:s28+$0x50] =	vst v0  }
0x148: {  	v0 =	vld [tilespmem:s2+$0x60]  }
0x149: {  	s2 =	sadd.s32 $0x100, s2;
	v1 =	vld [tilespmem:s26+$0x60]  }
0x14a: {  	_ =	sdelay $0x3  }
0x14b: {  	v0 =	vsub.f32 v0, v1;
	_ =	sdelay $0x1  }
0x14c: {  	[tilespmem:s29+$0x60] =	vst v0  }
0x14d: {  	v0 =	vld [tilespmem:s25+$0x70]  }
0x14e: {  	v63 =	vld [tilespmem:s31+$0x70];
	_ =	sdelay $0x2  }
0x14f: {  	s2 =	smul.u32 $0x50, s24  }
.Ltmp7:
0x150: {  	_ = 	snop;
	(pc) =	sbr.rel .LBB2_8-.Ltmp7, $4  }
0x151: {  	s2 =	sadd.s32 s4, s2;
	v0 =	vsub.f32 v0, v63  }
0x152: {  	s2 =	sshll.u32 s2, $0x4  }
0x153: {  	s2 =	sadd.s32 s5, s2;
	[tilespmem:s29+$0x70] =	vst v0  }
0x154: {  	[hbm4b:s2+s3] =	stream.linear.scatter [tilespmem:s19], [sflag:$0x6], $0x2800, $0x38;
	[tilespmem:$0x13F00] =	vst v63  }
.LBB2_10:
0x155: {  	_ =	sfence.sel $0x180000  }
0x156: {  	[bflag:$0x0] =	sbarrier.arrive $0xFFFF  }
0x157: {  	_ =	strace $0x90000047  }
0x158: {  	[bflag:$0x2] =	sbarrier.arrive $0xFFFF  }
0x159: {  	p0 =	sne.s32 s0, $0x0;
	s0 =	rddreg [dreg:$0x3]  }
0x15a: {  	s0 =	sadd.s32 @!p0 $0x100000, s0  }
0x15b: {  	[sflag:s0] =	ssyncadd.tile.s32 @!p0 $0x1;
	_ =	shalt  }
.Lfunc_end2:
_tile_overlayer_lowered:
.L_overlay_start_2:
0x15c: {  	(tag) =	ssettag $0x2  }
0x15d: {  	s0 =	rddreg [dreg:$0x0];
	s2 =	stileid.u32  }
0x15e: {  	s1 =	rddreg [dreg:$0x1];
	p0 =	sne.s32 s2, $0x0  }
0x15f: {  	s3 =	rddreg [dreg:$0x2];
	[bflag:$0x3] =	sbarrier.arrive $0xFFFF;
	s2 =	simm.s32 @!p0 $0x1C07  }
0x160: {  	[timem:s3], [sflag:s2] =	dma.local @!p0 [hbm:s0], s1  }
0x161: {  	s0 =	simm.s32 @!p0 $0x7  }
0x162: {  	_ =	swait.ge @!p0 [sflag:s0], s1  }
0x163: {  	s1 =	ssub.s32 @!p0 $0x0, s1;
	[sflag:s0] =	ssyncset.done @!p0 $0x0  }
0x164: {  	[sflag:s0] =	ssyncadd.s32 @!p0 s1  }
0x165: {  	[bflag:$0x3] =	sbarrier.arrive $0xFFFF  }
0x166: {  	_ =	shalt  }

</sc_bundles>
